<compile_context>
chip_gen: v7x
topology: tpu7x:2x2x1
jax: 0.10.2.dev20260603
libtpu: 0.0.44.dev20260713+nightly
codegen_flags: <defaults>
</compile_context>

<pallas_src>
import jax
import jax.numpy as jnp
from jax import lax
from jax.experimental import pallas as pl
from jax.experimental.pallas import tpu as pltpu
from jax.experimental.pallas import tpu_sc as plsc

N_NODES = 10000
N_EDGES = 320000
D_IN = 128
H_DIM = 32

NC = 2
NS = 16
NW = NC * NS

EPW = N_EDGES // NW
CW = 80
NCHUNK = EPW // CW

NPAD = 10240
RPT = NPAD // NS

NB = 5
NGRP = NCHUNK // NB



def _deg_body(er_hbm, out_hbm, idx_v, ones_v, buf_v, acc_sh, *sems):
    c = lax.axis_index("c")
    s = lax.axis_index("s")
    wid = s * NC + c

    def _zero(i, _):
        buf_v[pl.ds(i * 16, 16)] = jnp.zeros((16,), jnp.float32)
        return 0

    lax.fori_loop(0, RPT // 16, _zero, 0)
    pltpu.sync_copy(buf_v, acc_sh.at[pl.ds(s * RPT, RPT)])
    for i in range(CW // 16):
        ones_v[pl.ds(i * 16, 16)] = jnp.full((16,), 1.0, jnp.float32)
    pltpu.sync_copy(er_hbm.at[1, wid], idx_v)
    plsc.subcore_barrier()

    for b in range(NB):
        pltpu.async_copy(ones_v, acc_sh.at[idx_v.at[b]], sems[b], add=True)

    def _grp(i, _):
        for b in range(NB):
            j = (i + 1) * NB + b
            pltpu.async_copy(ones_v, acc_sh.at[idx_v.at[j]], sems[b], add=True)
            pltpu.make_async_copy(ones_v, acc_sh.at[idx_v.at[j]], sems[b]).wait()
        return 0

    lax.fori_loop(0, NGRP - 1, _grp, 0)
    for b in range(NB):
        pltpu.make_async_copy(ones_v, acc_sh.at[idx_v.at[b]], sems[b]).wait()
    plsc.subcore_barrier()
    pltpu.sync_copy(acc_sh.at[pl.ds(s * RPT, RPT)], buf_v)
    pltpu.sync_copy(buf_v, out_hbm.at[c, pl.ds(s * RPT, RPT)])


def _sc_deg(er):
    return pl.kernel(
        _deg_body,
        mesh=plsc.VectorSubcoreMesh(core_axis_name="c", subcore_axis_name="s"),
        out_type=jax.ShapeDtypeStruct((NC, NPAD), jnp.float32),
        scratch_types=[
            pltpu.VMEM((NCHUNK, CW), jnp.int32),
            pltpu.VMEM((CW,), jnp.float32),
            pltpu.VMEM((RPT,), jnp.float32),
            pltpu.VMEM_SHARED((NPAD,), jnp.float32),
        ] + [pltpu.SemaphoreType.DMA] * NB,
        compiler_params=pltpu.CompilerParams(use_tc_tiling_on_sc=False),
    )(er)



def _scat_body(g_hbm, er_hbm, out_hbm, srcv, dstv, rows, obuf, acc_sh, *sems):
    c = lax.axis_index("c")
    s = lax.axis_index("s")
    wid = s * NC + c
    gsem = sems[:NB]
    ssem = sems[NB:]

    def _zero(i, _):
        obuf[i, pl.ds(0, 16)] = jnp.zeros((16,), jnp.float32)
        obuf[i, pl.ds(16, 16)] = jnp.zeros((16,), jnp.float32)
        return 0

    lax.fori_loop(0, RPT, _zero, 0)
    pltpu.sync_copy(obuf, acc_sh.at[pl.ds(s * RPT, RPT)])
    pltpu.sync_copy(er_hbm.at[0, wid], srcv)
    pltpu.sync_copy(er_hbm.at[1, wid], dstv)
    plsc.subcore_barrier()

    for b in range(NB):
        pltpu.async_copy(g_hbm.at[srcv.at[b]], rows.at[b], gsem[b])

    def _grp(i, _):
        for b in range(NB):
            j = i * NB + b
            pltpu.make_async_copy(g_hbm.at[srcv.at[j]], rows.at[b], gsem[b]).wait()
            pltpu.async_copy(rows.at[b], acc_sh.at[dstv.at[j]], ssem[b], add=True)
        for b in range(NB):
            j = i * NB + b
            pltpu.make_async_copy(rows.at[b], acc_sh.at[dstv.at[j]], ssem[b]).wait()
            pltpu.async_copy(g_hbm.at[srcv.at[j + NB]], rows.at[b], gsem[b])
        return 0

    lax.fori_loop(0, NGRP - 1, _grp, 0)
    for b in range(NB):
        j = (NGRP - 1) * NB + b
        pltpu.make_async_copy(g_hbm.at[srcv.at[j]], rows.at[b], gsem[b]).wait()
        pltpu.async_copy(rows.at[b], acc_sh.at[dstv.at[j]], ssem[b], add=True)
    for b in range(NB):
        j = (NGRP - 1) * NB + b
        pltpu.make_async_copy(rows.at[b], acc_sh.at[dstv.at[j]], ssem[b]).wait()
    plsc.subcore_barrier()
    pltpu.sync_copy(acc_sh.at[pl.ds(s * RPT, RPT)], obuf)
    pltpu.sync_copy(obuf, out_hbm.at[c, pl.ds(s * RPT, RPT)])


def _sc_scatter(g, er):
    return pl.kernel(
        _scat_body,
        mesh=plsc.VectorSubcoreMesh(core_axis_name="c", subcore_axis_name="s"),
        out_type=jax.ShapeDtypeStruct((NC, NPAD, H_DIM), jnp.float32),
        scratch_types=[
            pltpu.VMEM((NCHUNK, CW), jnp.int32),
            pltpu.VMEM((NCHUNK, CW), jnp.int32),
            pltpu.VMEM((NB, CW, H_DIM), jnp.float32),
            pltpu.VMEM((RPT, H_DIM), jnp.float32),
            pltpu.VMEM_SHARED((NPAD, H_DIM), jnp.float32),
        ] + [pltpu.SemaphoreType.DMA] * (2 * NB),
        compiler_params=pltpu.CompilerParams(use_tc_tiling_on_sc=False),
    )(g, er)



BR = 2000


def _pre_body(x_ref, wc_ref, ws_ref, bs_ref, d0_ref, d1_ref,
              g_ref, dinv_ref, res_ref):
    xb = x_ref[...]
    h = jnp.dot(xb, wc_ref[...], preferred_element_type=jnp.float32)
    deg = d0_ref[...] + d1_ref[...]
    dinv = jnp.where(deg > 0, lax.rsqrt(jnp.maximum(deg, 1e-12)), 0.0)
    g_ref[...] = h * dinv
    dinv_ref[...] = dinv
    res_ref[...] = jnp.dot(xb, ws_ref[...],
                           preferred_element_type=jnp.float32) + bs_ref[...]


def _tc_pre(x, W_conv, W_skip, b_skip, deg0, deg1):
    grid = (N_NODES // BR,)
    row = lambda i: (i, 0)
    fix = lambda i: (0, 0)
    return pl.pallas_call(
        _pre_body,
        grid=grid,
        in_specs=[
            pl.BlockSpec((BR, D_IN), row),
            pl.BlockSpec((D_IN, H_DIM), fix),
            pl.BlockSpec((D_IN, H_DIM), fix),
            pl.BlockSpec((1, H_DIM), fix),
            pl.BlockSpec((BR, 1), row),
            pl.BlockSpec((BR, 1), row),
        ],
        out_specs=[
            pl.BlockSpec((BR, H_DIM), row),
            pl.BlockSpec((BR, 1), row),
            pl.BlockSpec((BR, H_DIM), row),
        ],
        out_shape=[
            jax.ShapeDtypeStruct((N_NODES, H_DIM), jnp.float32),
            jax.ShapeDtypeStruct((N_NODES, 1), jnp.float32),
            jax.ShapeDtypeStruct((N_NODES, H_DIM), jnp.float32),
        ],
    )(x, W_conv, W_skip, b_skip, deg0, deg1)


def _post_body(s0_ref, s1_ref, dinv_ref, bc_ref, lg_ref, lb_ref, res_ref,
               w1_ref, b1_ref, w2_ref, b2_ref, out_ref):
    h = (s0_ref[0] + s1_ref[0]) * dinv_ref[...] + bc_ref[...]
    mu = jnp.mean(h, axis=-1, keepdims=True)
    var = jnp.mean((h - mu) ** 2, axis=-1, keepdims=True)
    hn = (h - mu) / jnp.sqrt(var + 1e-5) * lg_ref[...] + lb_ref[...]
    h2 = jnp.maximum(hn, 0.0) + res_ref[...]
    f1 = jnp.maximum(
        jnp.dot(h2, w1_ref[...], preferred_element_type=jnp.float32)
        + b1_ref[...], 0.0)
    f2 = jnp.dot(f1, w2_ref[...], preferred_element_type=jnp.float32) + b2_ref[...]
    out_ref[...] = jnp.maximum(f2, 0.0) + jnp.log1p(jnp.exp(-jnp.abs(f2)))


def _tc_post(parts, dinv, b_conv, ln_g, ln_b, resid, W_fc1, b_fc1, W_fc2, b_fc2):
    grid = (N_NODES // BR,)
    row = lambda i: (i, 0)
    fix = lambda i: (0, 0)
    return pl.pallas_call(
        _post_body,
        grid=grid,
        in_specs=[
            pl.BlockSpec((1, BR, H_DIM), lambda i: (0, i, 0)),
            pl.BlockSpec((1, BR, H_DIM), lambda i: (1, i, 0)),
            pl.BlockSpec((BR, 1), row),
            pl.BlockSpec((1, H_DIM), fix),
            pl.BlockSpec((1, H_DIM), fix),
            pl.BlockSpec((1, H_DIM), fix),
            pl.BlockSpec((BR, H_DIM), row),
            pl.BlockSpec((H_DIM, H_DIM // 2), fix),
            pl.BlockSpec((1, H_DIM // 2), fix),
            pl.BlockSpec((H_DIM // 2, 1), fix),
            pl.BlockSpec((1, 1), fix),
        ],
        out_specs=pl.BlockSpec((BR, 1), row),
        out_shape=jax.ShapeDtypeStruct((N_NODES, 1), jnp.float32),
    )(parts, parts, dinv, b_conv, ln_g, ln_b, resid, W_fc1, b_fc1, W_fc2, b_fc2)



def kernel(x, edge_index, W_conv, b_conv, ln_g, ln_b, W_skip, b_skip,
           W_fc1, b_fc1, W_fc2, b_fc2):
    er = edge_index.reshape(2, NW, NCHUNK, CW)

    deg2 = _sc_deg(er)
    g, dinv, resid = _tc_pre(
        x, W_conv, W_skip, b_skip.reshape(1, H_DIM),
        deg2[0, :N_NODES, None], deg2[1, :N_NODES, None])
    parts = _sc_scatter(g, er)
    out = _tc_post(
        parts, dinv,
        b_conv.reshape(1, H_DIM), ln_g.reshape(1, H_DIM),
        ln_b.reshape(1, H_DIM), resid,
        W_fc1, b_fc1.reshape(1, H_DIM // 2), W_fc2, b_fc2.reshape(1, 1))
    return out[:, 0]

# --- scband reference (transcript-rebuilt; emitter-appended) ---
"""Pipeline reference for scband-malaria-gcn-21251498181391 (READ-ONLY COPY).

The authoritative reference and input builder live on the scoring server;
editing this copy changes nothing except your own understanding.
"""

import jax, jax.numpy as jnp
import numpy as np

N = 10000
E = 320000
D_IN = 128
H = 32


def setup_inputs(seed: int = 0) -> dict:
    key = jax.random.key(seed)
    ks = jax.random.split(key, 12)
    x = jax.random.normal(ks[0], (N, D_IN), dtype=jnp.float32)
    edge_index = jax.random.randint(ks[1], (2, E), 0, N, dtype=jnp.int32)
    W_conv = jax.random.normal(ks[2], (D_IN, H), dtype=jnp.float32) * (1.0 / np.sqrt(D_IN))
    b_conv = jnp.zeros((H,), dtype=jnp.float32)
    ln_g = jnp.ones((H,), dtype=jnp.float32)
    ln_b = jnp.zeros((H,), dtype=jnp.float32)
    W_skip = jax.random.normal(ks[3], (D_IN, H), dtype=jnp.float32) * (1.0 / np.sqrt(D_IN))
    b_skip = jnp.zeros((H,), dtype=jnp.float32)
    W_fc1 = jax.random.normal(ks[4], (H, H // 2), dtype=jnp.float32) * (1.0 / np.sqrt(H))
    b_fc1 = jnp.zeros((H // 2,), dtype=jnp.float32)
    W_fc2 = jax.random.normal(ks[5], (H // 2, 1), dtype=jnp.float32) * (1.0 / np.sqrt(H // 2))
    b_fc2 = jnp.zeros((1,), dtype=jnp.float32)
    return {"x": x, "edge_index": edge_index, "W_conv": W_conv, "b_conv": b_conv,
            "ln_g": ln_g, "ln_b": ln_b, "W_skip": W_skip, "b_skip": b_skip,
            "W_fc1": W_fc1, "b_fc1": b_fc1, "W_fc2": W_fc2, "b_fc2": b_fc2}


def _gcn_conv(h_in, src, dst, W, b, n_nodes):
    # GCNConv(add_self_loops=False, normalize=True): h = A_norm (x W) + b
    h = h_in @ W
    ones = jnp.ones(dst.shape[0], dtype=jnp.float32)
    deg = jax.ops.segment_sum(ones, dst, num_segments=n_nodes)
    dinv = jnp.where(deg > 0, jax.lax.rsqrt(jnp.maximum(deg, 1e-12)), 0.0)
    norm = dinv[src] * dinv[dst]
    msgs = norm[:, None] * h[src]
    out = jax.ops.segment_sum(msgs, dst, num_segments=n_nodes)
    return out + b


def _layer_norm(h, g, b, eps=1e-5):
    mu = jnp.mean(h, axis=-1, keepdims=True)
    var = jnp.mean((h - mu) ** 2, axis=-1, keepdims=True)
    return (h - mu) / jnp.sqrt(var + eps) * g + b


def reference(x, edge_index, W_conv, b_conv, ln_g, ln_b, W_skip, b_skip, W_fc1, b_fc1, W_fc2, b_fc2):
    src = edge_index[0]
    dst = edge_index[1]
    n_nodes = x.shape[0]
    residual = x @ W_skip + b_skip
    h = _gcn_conv(x, src, dst, W_conv, b_conv, n_nodes)
    h = _layer_norm(h, ln_g, ln_b)
    h = jax.nn.relu(h)
    # dropout is identity in eval mode
    h = h + residual
    h = jax.nn.relu(h @ W_fc1 + b_fc1)
    h = h @ W_fc2 + b_fc2
    h = jax.nn.softplus(h)
    return jnp.squeeze(h, axis=-1)

if __name__ == "__main__":
    import jax
    _d = setup_inputs()
    print(jax.jit(kernel)(*tuple(_d.values())))

</pallas_src>

<mosaic_0001>
#map = affine_map<(d0, d1) -> (0, 0)>
#map1 = affine_map<(d0, d1) -> (0, 0, 0, 0)>
#map2 = affine_map<(d0, d1) -> (0, 0, 0)>
module attributes {stable_mosaic.version = 14 : i64} {
  func.func @_scat_body(%arg0: i32, %arg1: i32, %arg2: memref<10000x32xf32, #tpu.memory_space<hbm>>, %arg3: memref<2x32x125x80xi32, #tpu.memory_space<hbm>>, %arg4: memref<2x10240x32xf32, #tpu.memory_space<hbm>>, %arg5: memref<125x80xi32, #tpu.memory_space<vmem>>, %arg6: memref<125x80xi32, #tpu.memory_space<vmem>>, %arg7: memref<5x80x32xf32, #tpu.memory_space<vmem>>, %arg8: memref<640x32xf32, #tpu.memory_space<vmem>>, %arg9: memref<10240x32xf32, #tpu.memory_space<vmem_shared>>, %arg10: memref<!tpu.dma_semaphore, #tpu.memory_space<semaphore_mem>>, %arg11: memref<!tpu.dma_semaphore, #tpu.memory_space<semaphore_mem>>, %arg12: memref<!tpu.dma_semaphore, #tpu.memory_space<semaphore_mem>>, %arg13: memref<!tpu.dma_semaphore, #tpu.memory_space<semaphore_mem>>, %arg14: memref<!tpu.dma_semaphore, #tpu.memory_space<semaphore_mem>>, %arg15: memref<!tpu.dma_semaphore, #tpu.memory_space<semaphore_mem>>, %arg16: memref<!tpu.dma_semaphore, #tpu.memory_space<semaphore_mem>>, %arg17: memref<!tpu.dma_semaphore, #tpu.memory_space<semaphore_mem>>, %arg18: memref<!tpu.dma_semaphore, #tpu.memory_space<semaphore_mem>>, %arg19: memref<!tpu.dma_semaphore, #tpu.memory_space<semaphore_mem>>) attributes {dimension_semantics = [#tpu.dimension_semantics<core_parallel>, #tpu.dimension_semantics<subcore_parallel>], iteration_bounds = array<i64: 2, 16>, scalar_prefetch = 0 : i64, scratch_operands = 15 : i64, tpu.core_type = #tpu.core_type<sc_vector_subcore>, window_params = [{transform_indices = #map}, {transform_indices = #map1}, {transform_indices = #map2}]} {
    %mul3A = arith.constant 2 : i32
    %mul3A_0 = arith.muli %arg1, %mul3A : i32
    %add3A = arith.addi %mul3A_0, %arg0 : i32
    %scan3A = arith.constant 0 : i32
    %scan3A_1 = arith.constant 0 : i32
    %scan3A_2 = arith.constant 640 : i32
    %scan3A_3 = arith.addi %scan3A_1, %scan3A_2 : i32
    %scan3A_4 = arith.constant 1 : i32
    %scan3A_5 = scf.for %scan3A_260 = %scan3A_1 to %scan3A_3 step %scan3A_4 iter_args(%scan3A_261 = %scan3A) -> (i32)  : i32 {
      %broadcast_in_dim3A = arith.constant 0.000000e+00 : f32
      %broadcast_in_dim3A_262 = vector.broadcast %broadcast_in_dim3A : f32 to vector<16xf32>
      %swap3A = arith.index_cast %scan3A_260 : i32 to index
      %swap3A_263 = arith.constant 0 : index
      %swap3A_264 = tpu.vector_load %arg8[%swap3A, %swap3A_263] {strides = array<i32>} : memref<640x32xf32, #tpu.memory_space<vmem>>, vector<1x16xf32>,
      %swap3A_265 = vector.shape_cast %swap3A_264 : vector<1x16xf32> to vector<16xf32>
      %swap3A_266 = vector.shape_cast %broadcast_in_dim3A_262 : vector<16xf32> to vector<1x16xf32>
      tpu.vector_store %arg8[%swap3A, %swap3A_263], %swap3A_266 {strides = array<i32>} : memref<640x32xf32, #tpu.memory_space<vmem>>, vector<1x16xf32>,
      %broadcast_in_dim3A_267 = arith.constant 0.000000e+00 : f32
      %broadcast_in_dim3A_268 = vector.broadcast %broadcast_in_dim3A_267 : f32 to vector<16xf32>
      %swap3A_269 = arith.index_cast %scan3A_260 : i32 to index
      %swap3A_270 = arith.constant 16 : index
      %swap3A_271 = tpu.vector_load %arg8[%swap3A_269, %swap3A_270] {strides = array<i32>} : memref<640x32xf32, #tpu.memory_space<vmem>>, vector<1x16xf32>,
      %swap3A_272 = vector.shape_cast %swap3A_271 : vector<1x16xf32> to vector<16xf32>
      %swap3A_273 = vector.shape_cast %broadcast_in_dim3A_268 : vector<16xf32> to vector<1x16xf32>
      tpu.vector_store %arg8[%swap3A_269, %swap3A_270], %swap3A_273 {strides = array<i32>} : memref<640x32xf32, #tpu.memory_space<vmem>>, vector<1x16xf32>,
      %scan3A_274 = arith.constant 0 : i32
      scf.yield %scan3A_274 : i32
    }
    %scan3A_6 = arith.constant 640 : i32
    %mul3A_7 = arith.constant 640 : i32
    %mul3A_8 = arith.muli %arg1, %mul3A_7 : i32
    "tpu.region"() ({
      %run_scoped3A_260 = tpu.sem_alloc : memref<!tpu.dma_semaphore, #tpu.memory_space<semaphore_mem>>
      %dma_start3A_261 = arith.constant 0 : i32
      %dma_start3A_262 = tpu.memref_slice %arg9[%mul3A_8, %dma_start3A_261] : memref<10240x32xf32, #tpu.memory_space<vmem_shared>> -> memref<640x32xf32, #tpu.memory_space<vmem_shared>>
      %dma_start3A_263 = arith.constant 0 : i32
      %dma_start3A_264 = tpu.memref_slice %arg9[%mul3A_8, %dma_start3A_263] : memref<10240x32xf32, #tpu.memory_space<vmem_shared>> -> memref<640x32xf32, #tpu.memory_space<vmem_shared>>
      tpu.enqueue_dma source(%arg8 : memref<640x32xf32, #tpu.memory_space<vmem>>) target(%dma_start3A_264 : memref<640x32xf32, #tpu.memory_space<vmem_shared>>) target_semaphore(%run_scoped3A_260 : memref<!tpu.dma_semaphore, #tpu.memory_space<semaphore_mem>>)
      %dma_wait3A_265 = arith.constant 0 : i32
      %dma_wait3A_266 = tpu.memref_slice %arg9[%mul3A_8, %dma_wait3A_265] : memref<10240x32xf32, #tpu.memory_space<vmem_shared>> -> memref<640x32xf32, #tpu.memory_space<vmem_shared>>
      %dma_wait3A_267 = arith.constant 0 : i32
      %dma_wait3A_268 = tpu.memref_slice %arg9[%mul3A_8, %dma_wait3A_267] : memref<10240x32xf32, #tpu.memory_space<vmem_shared>> -> memref<640x32xf32, #tpu.memory_space<vmem_shared>>
      tpu.wait_dma2 semaphore(%run_scoped3A_260 : memref<!tpu.dma_semaphore, #tpu.memory_space<semaphore_mem>>) src(%arg8 : memref<640x32xf32, #tpu.memory_space<vmem>>) dst(%dma_wait3A_268 : memref<640x32xf32, #tpu.memory_space<vmem_shared>>)
      tpu.yield
    }) : () -> ()
    %run_scoped3A = arith.constant 0 : i32
    "tpu.region"() ({
      %run_scoped3A_260 = tpu.sem_alloc : memref<!tpu.dma_semaphore, #tpu.memory_space<semaphore_mem>>
      %dma_start3A_261 = arith.constant 0 : i32
      %dma_start3A_262 = arith.constant 0 : i32
      %dma_start3A_263 = tpu.memref_slice %arg3[%run_scoped3A, %add3A, %dma_start3A_261, %dma_start3A_262] : memref<2x32x125x80xi32, #tpu.memory_space<hbm>> -> memref<1x1x125x80xi32, #tpu.memory_space<hbm>>
      %dma_start3A_264 = tpu.memref_squeeze %dma_start3A_263 : memref<1x1x125x80xi32, #tpu.memory_space<hbm>> -> memref<125x80xi32, #tpu.memory_space<hbm>>
      %dma_start3A_265 = arith.constant 0 : i32
      %dma_start3A_266 = arith.constant 0 : i32
      %dma_start3A_267 = tpu.memref_slice %arg3[%run_scoped3A, %add3A, %dma_start3A_265, %dma_start3A_266] : memref<2x32x125x80xi32, #tpu.memory_space<hbm>> -> memref<1x1x125x80xi32, #tpu.memory_space<hbm>>
      %dma_start3A_268 = tpu.memref_squeeze %dma_start3A_267 : memref<1x1x125x80xi32, #tpu.memory_space<hbm>> -> memref<125x80xi32, #tpu.memory_space<hbm>>
      tpu.enqueue_dma source(%dma_start3A_268 : memref<125x80xi32, #tpu.memory_space<hbm>>) target(%arg5 : memref<125x80xi32, #tpu.memory_space<vmem>>) target_semaphore(%run_scoped3A_260 : memref<!tpu.dma_semaphore, #tpu.memory_space<semaphore_mem>>)
      %dma_wait3A_269 = arith.constant 0 : i32
      %dma_wait3A_270 = arith.constant 0 : i32
      %dma_wait3A_271 = tpu.memref_slice %arg3[%run_scoped3A, %add3A, %dma_wait3A_269, %dma_wait3A_270] : memref<2x32x125x80xi32, #tpu.memory_space<hbm>> -> memref<1x1x125x80xi32, #tpu.memory_space<hbm>>
      %dma_wait3A_272 = tpu.memref_squeeze %dma_wait3A_271 : memref<1x1x125x80xi32, #tpu.memory_space<hbm>> -> memref<125x80xi32, #tpu.memory_space<hbm>>
      %dma_wait3A_273 = arith.constant 0 : i32
      %dma_wait3A_274 = arith.constant 0 : i32
      %dma_wait3A_275 = tpu.memref_slice %arg3[%run_scoped3A, %add3A, %dma_wait3A_273, %dma_wait3A_274] : memref<2x32x125x80xi32, #tpu.memory_space<hbm>> -> memref<1x1x125x80xi32, #tpu.memory_space<hbm>>
      %dma_wait3A_276 = tpu.memref_squeeze %dma_wait3A_275 : memref<1x1x125x80xi32, #tpu.memory_space<hbm>> -> memref<125x80xi32, #tpu.memory_space<hbm>>
      tpu.wait_dma2 semaphore(%run_scoped3A_260 : memref<!tpu.dma_semaphore, #tpu.memory_space<semaphore_mem>>) src(%dma_wait3A_276 : memref<125x80xi32, #tpu.memory_space<hbm>>) dst(%arg5 : memref<125x80xi32, #tpu.memory_space<vmem>>)
      tpu.yield
    }) : () -> ()
    %run_scoped3A_9 = arith.constant 1 : i32
    "tpu.region"() ({
      %run_scoped3A_260 = tpu.sem_alloc : memref<!tpu.dma_semaphore, #tpu.memory_space<semaphore_mem>>
      %dma_start3A_261 = arith.constant 0 : i32
      %dma_start3A_262 = arith.constant 0 : i32
      %dma_start3A_263 = tpu.memref_slice %arg3[%run_scoped3A_9, %add3A, %dma_start3A_261, %dma_start3A_262] : memref<2x32x125x80xi32, #tpu.memory_space<hbm>> -> memref<1x1x125x80xi32, #tpu.memory_space<hbm>>
      %dma_start3A_264 = tpu.memref_squeeze %dma_start3A_263 : memref<1x1x125x80xi32, #tpu.memory_space<hbm>> -> memref<125x80xi32, #tpu.memory_space<hbm>>
      %dma_start3A_265 = arith.constant 0 : i32
      %dma_start3A_266 = arith.constant 0 : i32
      %dma_start3A_267 = tpu.memref_slice %arg3[%run_scoped3A_9, %add3A, %dma_start3A_265, %dma_start3A_266] : memref<2x32x125x80xi32, #tpu.memory_space<hbm>> -> memref<1x1x125x80xi32, #tpu.memory_space<hbm>>
      %dma_start3A_268 = tpu.memref_squeeze %dma_start3A_267 : memref<1x1x125x80xi32, #tpu.memory_space<hbm>> -> memref<125x80xi32, #tpu.memory_space<hbm>>
      tpu.enqueue_dma source(%dma_start3A_268 : memref<125x80xi32, #tpu.memory_space<hbm>>) target(%arg6 : memref<125x80xi32, #tpu.memory_space<vmem>>) target_semaphore(%run_scoped3A_260 : memref<!tpu.dma_semaphore, #tpu.memory_space<semaphore_mem>>)
      %dma_wait3A_269 = arith.constant 0 : i32
      %dma_wait3A_270 = arith.constant 0 : i32
      %dma_wait3A_271 = tpu.memref_slice %arg3[%run_scoped3A_9, %add3A, %dma_wait3A_269, %dma_wait3A_270] : memref<2x32x125x80xi32, #tpu.memory_space<hbm>> -> memref<1x1x125x80xi32, #tpu.memory_space<hbm>>
      %dma_wait3A_272 = tpu.memref_squeeze %dma_wait3A_271 : memref<1x1x125x80xi32, #tpu.memory_space<hbm>> -> memref<125x80xi32, #tpu.memory_space<hbm>>
      %dma_wait3A_273 = arith.constant 0 : i32
      %dma_wait3A_274 = arith.constant 0 : i32
      %dma_wait3A_275 = tpu.memref_slice %arg3[%run_scoped3A_9, %add3A, %dma_wait3A_273, %dma_wait3A_274] : memref<2x32x125x80xi32, #tpu.memory_space<hbm>> -> memref<1x1x125x80xi32, #tpu.memory_space<hbm>>
      %dma_wait3A_276 = tpu.memref_squeeze %dma_wait3A_275 : memref<1x1x125x80xi32, #tpu.memory_space<hbm>> -> memref<125x80xi32, #tpu.memory_space<hbm>>
      tpu.wait_dma2 semaphore(%run_scoped3A_260 : memref<!tpu.dma_semaphore, #tpu.memory_space<semaphore_mem>>) src(%dma_wait3A_276 : memref<125x80xi32, #tpu.memory_space<hbm>>) dst(%arg6 : memref<125x80xi32, #tpu.memory_space<vmem>>)
      tpu.yield
    }) : () -> ()
    %barrier3A = arith.constant 0 : index
    tpu.barrier barrier_id(%barrier3A)
    %dma_start3A = arith.constant 0 : i32
    %dma_start3A_10 = arith.constant 0 : i32
    %dma_start3A_11 = arith.constant 0 : i32
    %dma_start3A_12 = arith.constant 0 : i32
    %dma_start3A_13 = tpu.memref_slice %arg7[%dma_start3A_10, %dma_start3A_11, %dma_start3A_12] : memref<5x80x32xf32, #tpu.memory_space<vmem>> -> memref<1x80x32xf32, #tpu.memory_space<vmem>>
    %dma_start3A_14 = tpu.memref_squeeze %dma_start3A_13 : memref<1x80x32xf32, #tpu.memory_space<vmem>> -> memref<80x32xf32, #tpu.memory_space<vmem>>
    %dma_start3A_15 = arith.constant 0 : i32
    %dma_start3A_16 = tpu.memref_slice %arg5[%dma_start3A, %dma_start3A_15] : memref<125x80xi32, #tpu.memory_space<vmem>> -> memref<1x80xi32, #tpu.memory_space<vmem>>
    %dma_start3A_17 = tpu.memref_squeeze %dma_start3A_16 : memref<1x80xi32, #tpu.memory_space<vmem>> -> memref<80xi32, #tpu.memory_space<vmem>>
    %dma_start3A_18 = arith.constant 0 : i32
    %dma_start3A_19 = arith.constant 0 : i32
    %dma_start3A_20 = tpu.memref_slice %arg2[%dma_start3A_18, %dma_start3A_19] : memref<10000x32xf32, #tpu.memory_space<hbm>> -> memref<10000x32xf32, #tpu.memory_space<hbm>>
    tpu.enqueue_indirect_dma source(%dma_start3A_20 : memref<10000x32xf32, #tpu.memory_space<hbm>>) target(%dma_start3A_14 : memref<80x32xf32, #tpu.memory_space<vmem>>) offsets(%dma_start3A_17 : memref<80xi32, #tpu.memory_space<vmem>>) semaphore(%arg10 : memref<!tpu.dma_semaphore, #tpu.memory_space<semaphore_mem>>)
    %dma_start3A_21 = arith.constant 1 : i32
    %dma_start3A_22 = arith.constant 1 : i32
    %dma_start3A_23 = arith.constant 0 : i32
    %dma_start3A_24 = arith.constant 0 : i32
    %dma_start3A_25 = tpu.memref_slice %arg7[%dma_start3A_22, %dma_start3A_23, %dma_start3A_24] : memref<5x80x32xf32, #tpu.memory_space<vmem>> -> memref<1x80x32xf32, #tpu.memory_space<vmem>>
    %dma_start3A_26 = tpu.memref_squeeze %dma_start3A_25 : memref<1x80x32xf32, #tpu.memory_space<vmem>> -> memref<80x32xf32, #tpu.memory_space<vmem>>
    %dma_start3A_27 = arith.constant 0 : i32
    %dma_start3A_28 = tpu.memref_slice %arg5[%dma_start3A_21, %dma_start3A_27] : memref<125x80xi32, #tpu.memory_space<vmem>> -> memref<1x80xi32, #tpu.memory_space<vmem>>
    %dma_start3A_29 = tpu.memref_squeeze %dma_start3A_28 : memref<1x80xi32, #tpu.memory_space<vmem>> -> memref<80xi32, #tpu.memory_space<vmem>>
    %dma_start3A_30 = arith.constant 0 : i32
    %dma_start3A_31 = arith.constant 0 : i32
    %dma_start3A_32 = tpu.memref_slice %arg2[%dma_start3A_30, %dma_start3A_31] : memref<10000x32xf32, #tpu.memory_space<hbm>> -> memref<10000x32xf32, #tpu.memory_space<hbm>>
    tpu.enqueue_indirect_dma source(%dma_start3A_32 : memref<10000x32xf32, #tpu.memory_space<hbm>>) target(%dma_start3A_26 : memref<80x32xf32, #tpu.memory_space<vmem>>) offsets(%dma_start3A_29 : memref<80xi32, #tpu.memory_space<vmem>>) semaphore(%arg11 : memref<!tpu.dma_semaphore, #tpu.memory_space<semaphore_mem>>)
    %dma_start3A_33 = arith.constant 2 : i32
    %dma_start3A_34 = arith.constant 2 : i32
    %dma_start3A_35 = arith.constant 0 : i32
    %dma_start3A_36 = arith.constant 0 : i32
    %dma_start3A_37 = tpu.memref_slice %arg7[%dma_start3A_34, %dma_start3A_35, %dma_start3A_36] : memref<5x80x32xf32, #tpu.memory_space<vmem>> -> memref<1x80x32xf32, #tpu.memory_space<vmem>>
    %dma_start3A_38 = tpu.memref_squeeze %dma_start3A_37 : memref<1x80x32xf32, #tpu.memory_space<vmem>> -> memref<80x32xf32, #tpu.memory_space<vmem>>
    %dma_start3A_39 = arith.constant 0 : i32
    %dma_start3A_40 = tpu.memref_slice %arg5[%dma_start3A_33, %dma_start3A_39] : memref<125x80xi32, #tpu.memory_space<vmem>> -> memref<1x80xi32, #tpu.memory_space<vmem>>
    %dma_start3A_41 = tpu.memref_squeeze %dma_start3A_40 : memref<1x80xi32, #tpu.memory_space<vmem>> -> memref<80xi32, #tpu.memory_space<vmem>>
    %dma_start3A_42 = arith.constant 0 : i32
    %dma_start3A_43 = arith.constant 0 : i32
    %dma_start3A_44 = tpu.memref_slice %arg2[%dma_start3A_42, %dma_start3A_43] : memref<10000x32xf32, #tpu.memory_space<hbm>> -> memref<10000x32xf32, #tpu.memory_space<hbm>>
    tpu.enqueue_indirect_dma source(%dma_start3A_44 : memref<10000x32xf32, #tpu.memory_space<hbm>>) target(%dma_start3A_38 : memref<80x32xf32, #tpu.memory_space<vmem>>) offsets(%dma_start3A_41 : memref<80xi32, #tpu.memory_space<vmem>>) semaphore(%arg12 : memref<!tpu.dma_semaphore, #tpu.memory_space<semaphore_mem>>)
    %dma_start3A_45 = arith.constant 3 : i32
    %dma_start3A_46 = arith.constant 3 : i32
    %dma_start3A_47 = arith.constant 0 : i32
    %dma_start3A_48 = arith.constant 0 : i32
    %dma_start3A_49 = tpu.memref_slice %arg7[%dma_start3A_46, %dma_start3A_47, %dma_start3A_48] : memref<5x80x32xf32, #tpu.memory_space<vmem>> -> memref<1x80x32xf32, #tpu.memory_space<vmem>>
    %dma_start3A_50 = tpu.memref_squeeze %dma_start3A_49 : memref<1x80x32xf32, #tpu.memory_space<vmem>> -> memref<80x32xf32, #tpu.memory_space<vmem>>
    %dma_start3A_51 = arith.constant 0 : i32
    %dma_start3A_52 = tpu.memref_slice %arg5[%dma_start3A_45, %dma_start3A_51] : memref<125x80xi32, #tpu.memory_space<vmem>> -> memref<1x80xi32, #tpu.memory_space<vmem>>
    %dma_start3A_53 = tpu.memref_squeeze %dma_start3A_52 : memref<1x80xi32, #tpu.memory_space<vmem>> -> memref<80xi32, #tpu.memory_space<vmem>>
    %dma_start3A_54 = arith.constant 0 : i32
    %dma_start3A_55 = arith.constant 0 : i32
    %dma_start3A_56 = tpu.memref_slice %arg2[%dma_start3A_54, %dma_start3A_55] : memref<10000x32xf32, #tpu.memory_space<hbm>> -> memref<10000x32xf32, #tpu.memory_space<hbm>>
    tpu.enqueue_indirect_dma source(%dma_start3A_56 : memref<10000x32xf32, #tpu.memory_space<hbm>>) target(%dma_start3A_50 : memref<80x32xf32, #tpu.memory_space<vmem>>) offsets(%dma_start3A_53 : memref<80xi32, #tpu.memory_space<vmem>>) semaphore(%arg13 : memref<!tpu.dma_semaphore, #tpu.memory_space<semaphore_mem>>)
    %dma_start3A_57 = arith.constant 4 : i32
    %dma_start3A_58 = arith.constant 4 : i32
    %dma_start3A_59 = arith.constant 0 : i32
    %dma_start3A_60 = arith.constant 0 : i32
    %dma_start3A_61 = tpu.memref_slice %arg7[%dma_start3A_58, %dma_start3A_59, %dma_start3A_60] : memref<5x80x32xf32, #tpu.memory_space<vmem>> -> memref<1x80x32xf32, #tpu.memory_space<vmem>>
    %dma_start3A_62 = tpu.memref_squeeze %dma_start3A_61 : memref<1x80x32xf32, #tpu.memory_space<vmem>> -> memref<80x32xf32, #tpu.memory_space<vmem>>
    %dma_start3A_63 = arith.constant 0 : i32
    %dma_start3A_64 = tpu.memref_slice %arg5[%dma_start3A_57, %dma_start3A_63] : memref<125x80xi32, #tpu.memory_space<vmem>> -> memref<1x80xi32, #tpu.memory_space<vmem>>
    %dma_start3A_65 = tpu.memref_squeeze %dma_start3A_64 : memref<1x80xi32, #tpu.memory_space<vmem>> -> memref<80xi32, #tpu.memory_space<vmem>>
    %dma_start3A_66 = arith.constant 0 : i32
    %dma_start3A_67 = arith.constant 0 : i32
    %dma_start3A_68 = tpu.memref_slice %arg2[%dma_start3A_66, %dma_start3A_67] : memref<10000x32xf32, #tpu.memory_space<hbm>> -> memref<10000x32xf32, #tpu.memory_space<hbm>>
    tpu.enqueue_indirect_dma source(%dma_start3A_68 : memref<10000x32xf32, #tpu.memory_space<hbm>>) target(%dma_start3A_62 : memref<80x32xf32, #tpu.memory_space<vmem>>) offsets(%dma_start3A_65 : memref<80xi32, #tpu.memory_space<vmem>>) semaphore(%arg14 : memref<!tpu.dma_semaphore, #tpu.memory_space<semaphore_mem>>)
    %scan3A_69 = arith.constant 0 : i32
    %scan3A_70 = arith.constant 0 : i32
    %scan3A_71 = arith.constant 24 : i32
    %scan3A_72 = arith.addi %scan3A_70, %scan3A_71 : i32
    %scan3A_73 = arith.constant 1 : i32
    %scan3A_74 = scf.for %scan3A_260 = %scan3A_70 to %scan3A_72 step %scan3A_73 iter_args(%scan3A_261 = %scan3A_69) -> (i32)  : i32 {
      %mul3A_262 = arith.constant 5 : i32
      %mul3A_263 = arith.muli %scan3A_260, %mul3A_262 : i32
      %add3A_264 = arith.constant 0 : i32
      %add3A_265 = arith.addi %mul3A_263, %add3A_264 : i32
      %dma_wait3A_266 = arith.constant 0 : i32
      %dma_wait3A_267 = arith.constant 0 : i32
      %dma_wait3A_268 = arith.constant 0 : i32
      %dma_wait3A_269 = tpu.memref_slice %arg7[%dma_wait3A_266, %dma_wait3A_267, %dma_wait3A_268] : memref<5x80x32xf32, #tpu.memory_space<vmem>> -> memref<1x80x32xf32, #tpu.memory_space<vmem>>
      %dma_wait3A_270 = tpu.memref_squeeze %dma_wait3A_269 : memref<1x80x32xf32, #tpu.memory_space<vmem>> -> memref<80x32xf32, #tpu.memory_space<vmem>>
      %dma_wait3A_271 = arith.constant 0 : i32
      %dma_wait3A_272 = tpu.memref_slice %arg5[%add3A_265, %dma_wait3A_271] : memref<125x80xi32, #tpu.memory_space<vmem>> -> memref<1x80xi32, #tpu.memory_space<vmem>>
      %dma_wait3A_273 = tpu.memref_squeeze %dma_wait3A_272 : memref<1x80xi32, #tpu.memory_space<vmem>> -> memref<80xi32, #tpu.memory_space<vmem>>
      %dma_wait3A_274 = arith.constant 0 : i32
      %dma_wait3A_275 = arith.constant 0 : i32
      %dma_wait3A_276 = tpu.memref_slice %arg2[%dma_wait3A_274, %dma_wait3A_275] : memref<10000x32xf32, #tpu.memory_space<hbm>> -> memref<10000x32xf32, #tpu.memory_space<hbm>>
      tpu.wait_indirect_dma semaphore(%arg10 : memref<!tpu.dma_semaphore, #tpu.memory_space<semaphore_mem>>) src(%dma_wait3A_276 : memref<10000x32xf32, #tpu.memory_space<hbm>>) dst(%dma_wait3A_270 : memref<80x32xf32, #tpu.memory_space<vmem>>)
      %dma_start3A_277 = arith.constant 0 : i32
      %dma_start3A_278 = arith.constant 0 : i32
      %dma_start3A_279 = arith.constant 0 : i32
      %dma_start3A_280 = tpu.memref_slice %arg7[%dma_start3A_277, %dma_start3A_278, %dma_start3A_279] : memref<5x80x32xf32, #tpu.memory_space<vmem>> -> memref<1x80x32xf32, #tpu.memory_space<vmem>>
      %dma_start3A_281 = tpu.memref_squeeze %dma_start3A_280 : memref<1x80x32xf32, #tpu.memory_space<vmem>> -> memref<80x32xf32, #tpu.memory_space<vmem>>
      %dma_start3A_282 = arith.constant 0 : i32
      %dma_start3A_283 = tpu.memref_slice %arg6[%add3A_265, %dma_start3A_282] : memref<125x80xi32, #tpu.memory_space<vmem>> -> memref<1x80xi32, #tpu.memory_space<vmem>>
      %dma_start3A_284 = tpu.memref_squeeze %dma_start3A_283 : memref<1x80xi32, #tpu.memory_space<vmem>> -> memref<80xi32, #tpu.memory_space<vmem>>
      %dma_start3A_285 = arith.constant 0 : i32
      %dma_start3A_286 = arith.constant 0 : i32
      %dma_start3A_287 = tpu.memref_slice %arg9[%dma_start3A_285, %dma_start3A_286] : memref<10240x32xf32, #tpu.memory_space<vmem_shared>> -> memref<10240x32xf32, #tpu.memory_space<vmem_shared>>
      tpu.enqueue_indirect_dma source(%dma_start3A_281 : memref<80x32xf32, #tpu.memory_space<vmem>>) target(%dma_start3A_287 : memref<10240x32xf32, #tpu.memory_space<vmem_shared>>) offsets(%dma_start3A_284 : memref<80xi32, #tpu.memory_space<vmem>>) semaphore(%arg15 : memref<!tpu.dma_semaphore, #tpu.memory_space<semaphore_mem>>) {add = true}
      %mul3A_288 = arith.constant 5 : i32
      %mul3A_289 = arith.muli %scan3A_260, %mul3A_288 : i32
      %add3A_290 = arith.constant 1 : i32
      %add3A_291 = arith.addi %mul3A_289, %add3A_290 : i32
      %dma_wait3A_292 = arith.constant 1 : i32
      %dma_wait3A_293 = arith.constant 0 : i32
      %dma_wait3A_294 = arith.constant 0 : i32
      %dma_wait3A_295 = tpu.memref_slice %arg7[%dma_wait3A_292, %dma_wait3A_293, %dma_wait3A_294] : memref<5x80x32xf32, #tpu.memory_space<vmem>> -> memref<1x80x32xf32, #tpu.memory_space<vmem>>
      %dma_wait3A_296 = tpu.memref_squeeze %dma_wait3A_295 : memref<1x80x32xf32, #tpu.memory_space<vmem>> -> memref<80x32xf32, #tpu.memory_space<vmem>>
      %dma_wait3A_297 = arith.constant 0 : i32
      %dma_wait3A_298 = tpu.memref_slice %arg5[%add3A_291, %dma_wait3A_297] : memref<125x80xi32, #tpu.memory_space<vmem>> -> memref<1x80xi32, #tpu.memory_space<vmem>>
      %dma_wait3A_299 = tpu.memref_squeeze %dma_wait3A_298 : memref<1x80xi32, #tpu.memory_space<vmem>> -> memref<80xi32, #tpu.memory_space<vmem>>
      %dma_wait3A_300 = arith.constant 0 : i32
      %dma_wait3A_301 = arith.constant 0 : i32
      %dma_wait3A_302 = tpu.memref_slice %arg2[%dma_wait3A_300, %dma_wait3A_301] : memref<10000x32xf32, #tpu.memory_space<hbm>> -> memref<10000x32xf32, #tpu.memory_space<hbm>>
      tpu.wait_indirect_dma semaphore(%arg11 : memref<!tpu.dma_semaphore, #tpu.memory_space<semaphore_mem>>) src(%dma_wait3A_302 : memref<10000x32xf32, #tpu.memory_space<hbm>>) dst(%dma_wait3A_296 : memref<80x32xf32, #tpu.memory_space<vmem>>)
      %dma_start3A_303 = arith.constant 1 : i32
      %dma_start3A_304 = arith.constant 0 : i32
      %dma_start3A_305 = arith.constant 0 : i32
      %dma_start3A_306 = tpu.memref_slice %arg7[%dma_start3A_303, %dma_start3A_304, %dma_start3A_305] : memref<5x80x32xf32, #tpu.memory_space<vmem>> -> memref<1x80x32xf32, #tpu.memory_space<vmem>>
      %dma_start3A_307 = tpu.memref_squeeze %dma_start3A_306 : memref<1x80x32xf32, #tpu.memory_space<vmem>> -> memref<80x32xf32, #tpu.memory_space<vmem>>
      %dma_start3A_308 = arith.constant 0 : i32
      %dma_start3A_309 = tpu.memref_slice %arg6[%add3A_291, %dma_start3A_308] : memref<125x80xi32, #tpu.memory_space<vmem>> -> memref<1x80xi32, #tpu.memory_space<vmem>>
      %dma_start3A_310 = tpu.memref_squeeze %dma_start3A_309 : memref<1x80xi32, #tpu.memory_space<vmem>> -> memref<80xi32, #tpu.memory_space<vmem>>
      %dma_start3A_311 = arith.constant 0 : i32
      %dma_start3A_312 = arith.constant 0 : i32
      %dma_start3A_313 = tpu.memref_slice %arg9[%dma_start3A_311, %dma_start3A_312] : memref<10240x32xf32, #tpu.memory_space<vmem_shared>> -> memref<10240x32xf32, #tpu.memory_space<vmem_shared>>
      tpu.enqueue_indirect_dma source(%dma_start3A_307 : memref<80x32xf32, #tpu.memory_space<vmem>>) target(%dma_start3A_313 : memref<10240x32xf32, #tpu.memory_space<vmem_shared>>) offsets(%dma_start3A_310 : memref<80xi32, #tpu.memory_space<vmem>>) semaphore(%arg16 : memref<!tpu.dma_semaphore, #tpu.memory_space<semaphore_mem>>) {add = true}
      %mul3A_314 = arith.constant 5 : i32
      %mul3A_315 = arith.muli %scan3A_260, %mul3A_314 : i32
      %add3A_316 = arith.constant 2 : i32
      %add3A_317 = arith.addi %mul3A_315, %add3A_316 : i32
      %dma_wait3A_318 = arith.constant 2 : i32
      %dma_wait3A_319 = arith.constant 0 : i32
      %dma_wait3A_320 = arith.constant 0 : i32
      %dma_wait3A_321 = tpu.memref_slice %arg7[%dma_wait3A_318, %dma_wait3A_319, %dma_wait3A_320] : memref<5x80x32xf32, #tpu.memory_space<vmem>> -> memref<1x80x32xf32, #tpu.memory_space<vmem>>
      %dma_wait3A_322 = tpu.memref_squeeze %dma_wait3A_321 : memref<1x80x32xf32, #tpu.memory_space<vmem>> -> memref<80x32xf32, #tpu.memory_space<vmem>>
      %dma_wait3A_323 = arith.constant 0 : i32
      %dma_wait3A_324 = tpu.memref_slice %arg5[%add3A_317, %dma_wait3A_323] : memref<125x80xi32, #tpu.memory_space<vmem>> -> memref<1x80xi32, #tpu.memory_space<vmem>>
      %dma_wait3A_325 = tpu.memref_squeeze %dma_wait3A_324 : memref<1x80xi32, #tpu.memory_space<vmem>> -> memref<80xi32, #tpu.memory_space<vmem>>
      %dma_wait3A_326 = arith.constant 0 : i32
      %dma_wait3A_327 = arith.constant 0 : i32
      %dma_wait3A_328 = tpu.memref_slice %arg2[%dma_wait3A_326, %dma_wait3A_327] : memref<10000x32xf32, #tpu.memory_space<hbm>> -> memref<10000x32xf32, #tpu.memory_space<hbm>>
      tpu.wait_indirect_dma semaphore(%arg12 : memref<!tpu.dma_semaphore, #tpu.memory_space<semaphore_mem>>) src(%dma_wait3A_328 : memref<10000x32xf32, #tpu.memory_space<hbm>>) dst(%dma_wait3A_322 : memref<80x32xf32, #tpu.memory_space<vmem>>)
      %dma_start3A_329 = arith.constant 2 : i32
      %dma_start3A_330 = arith.constant 0 : i32
      %dma_start3A_331 = arith.constant 0 : i32
      %dma_start3A_332 = tpu.memref_slice %arg7[%dma_start3A_329, %dma_start3A_330, %dma_start3A_331] : memref<5x80x32xf32, #tpu.memory_space<vmem>> -> memref<1x80x32xf32, #tpu.memory_space<vmem>>
      %dma_start3A_333 = tpu.memref_squeeze %dma_start3A_332 : memref<1x80x32xf32, #tpu.memory_space<vmem>> -> memref<80x32xf32, #tpu.memory_space<vmem>>
      %dma_start3A_334 = arith.constant 0 : i32
      %dma_start3A_335 = tpu.memref_slice %arg6[%add3A_317, %dma_start3A_334] : memref<125x80xi32, #tpu.memory_space<vmem>> -> memref<1x80xi32, #tpu.memory_space<vmem>>
      %dma_start3A_336 = tpu.memref_squeeze %dma_start3A_335 : memref<1x80xi32, #tpu.memory_space<vmem>> -> memref<80xi32, #tpu.memory_space<vmem>>
      %dma_start3A_337 = arith.constant 0 : i32
      %dma_start3A_338 = arith.constant 0 : i32
      %dma_start3A_339 = tpu.memref_slice %arg9[%dma_start3A_337, %dma_start3A_338] : memref<10240x32xf32, #tpu.memory_space<vmem_shared>> -> memref<10240x32xf32, #tpu.memory_space<vmem_shared>>
      tpu.enqueue_indirect_dma source(%dma_start3A_333 : memref<80x32xf32, #tpu.memory_space<vmem>>) target(%dma_start3A_339 : memref<10240x32xf32, #tpu.memory_space<vmem_shared>>) offsets(%dma_start3A_336 : memref<80xi32, #tpu.memory_space<vmem>>) semaphore(%arg17 : memref<!tpu.dma_semaphore, #tpu.memory_space<semaphore_mem>>) {add = true}
      %mul3A_340 = arith.constant 5 : i32
      %mul3A_341 = arith.muli %scan3A_260, %mul3A_340 : i32
      %add3A_342 = arith.constant 3 : i32
      %add3A_343 = arith.addi %mul3A_341, %add3A_342 : i32
      %dma_wait3A_344 = arith.constant 3 : i32
      %dma_wait3A_345 = arith.constant 0 : i32
      %dma_wait3A_346 = arith.constant 0 : i32
      %dma_wait3A_347 = tpu.memref_slice %arg7[%dma_wait3A_344, %dma_wait3A_345, %dma_wait3A_346] : memref<5x80x32xf32, #tpu.memory_space<vmem>> -> memref<1x80x32xf32, #tpu.memory_space<vmem>>
      %dma_wait3A_348 = tpu.memref_squeeze %dma_wait3A_347 : memref<1x80x32xf32, #tpu.memory_space<vmem>> -> memref<80x32xf32, #tpu.memory_space<vmem>>
      %dma_wait3A_349 = arith.constant 0 : i32
      %dma_wait3A_350 = tpu.memref_slice %arg5[%add3A_343, %dma_wait3A_349] : memref<125x80xi32, #tpu.memory_space<vmem>> -> memref<1x80xi32, #tpu.memory_space<vmem>>
      %dma_wait3A_351 = tpu.memref_squeeze %dma_wait3A_350 : memref<1x80xi32, #tpu.memory_space<vmem>> -> memref<80xi32, #tpu.memory_space<vmem>>
      %dma_wait3A_352 = arith.constant 0 : i32
      %dma_wait3A_353 = arith.constant 0 : i32
      %dma_wait3A_354 = tpu.memref_slice %arg2[%dma_wait3A_352, %dma_wait3A_353] : memref<10000x32xf32, #tpu.memory_space<hbm>> -> memref<10000x32xf32, #tpu.memory_space<hbm>>
      tpu.wait_indirect_dma semaphore(%arg13 : memref<!tpu.dma_semaphore, #tpu.memory_space<semaphore_mem>>) src(%dma_wait3A_354 : memref<10000x32xf32, #tpu.memory_space<hbm>>) dst(%dma_wait3A_348 : memref<80x32xf32, #tpu.memory_space<vmem>>)
      %dma_start3A_355 = arith.constant 3 : i32
      %dma_start3A_356 = arith.constant 0 : i32
      %dma_start3A_357 = arith.constant 0 : i32
      %dma_start3A_358 = tpu.memref_slice %arg7[%dma_start3A_355, %dma_start3A_356, %dma_start3A_357] : memref<5x80x32xf32, #tpu.memory_space<vmem>> -> memref<1x80x32xf32, #tpu.memory_space<vmem>>
      %dma_start3A_359 = tpu.memref_squeeze %dma_start3A_358 : memref<1x80x32xf32, #tpu.memory_space<vmem>> -> memref<80x32xf32, #tpu.memory_space<vmem>>
      %dma_start3A_360 = arith.constant 0 : i32
      %dma_start3A_361 = tpu.memref_slice %arg6[%add3A_343, %dma_start3A_360] : memref<125x80xi32, #tpu.memory_space<vmem>> -> memref<1x80xi32, #tpu.memory_space<vmem>>
      %dma_start3A_362 = tpu.memref_squeeze %dma_start3A_361 : memref<1x80xi32, #tpu.memory_space<vmem>> -> memref<80xi32, #tpu.memory_space<vmem>>
      %dma_start3A_363 = arith.constant 0 : i32
      %dma_start3A_364 = arith.constant 0 : i32
      %dma_start3A_365 = tpu.memref_slice %arg9[%dma_start3A_363, %dma_start3A_364] : memref<10240x32xf32, #tpu.memory_space<vmem_shared>> -> memref<10240x32xf32, #tpu.memory_space<vmem_shared>>
      tpu.enqueue_indirect_dma source(%dma_start3A_359 : memref<80x32xf32, #tpu.memory_space<vmem>>) target(%dma_start3A_365 : memref<10240x32xf32, #tpu.memory_space<vmem_shared>>) offsets(%dma_start3A_362 : memref<80xi32, #tpu.memory_space<vmem>>) semaphore(%arg18 : memref<!tpu.dma_semaphore, #tpu.memory_space<semaphore_mem>>) {add = true}
      %mul3A_366 = arith.constant 5 : i32
      %mul3A_367 = arith.muli %scan3A_260, %mul3A_366 : i32
      %add3A_368 = arith.constant 4 : i32
      %add3A_369 = arith.addi %mul3A_367, %add3A_368 : i32
      %dma_wait3A_370 = arith.constant 4 : i32
      %dma_wait3A_371 = arith.constant 0 : i32
      %dma_wait3A_372 = arith.constant 0 : i32
      %dma_wait3A_373 = tpu.memref_slice %arg7[%dma_wait3A_370, %dma_wait3A_371, %dma_wait3A_372] : memref<5x80x32xf32, #tpu.memory_space<vmem>> -> memref<1x80x32xf32, #tpu.memory_space<vmem>>
      %dma_wait3A_374 = tpu.memref_squeeze %dma_wait3A_373 : memref<1x80x32xf32, #tpu.memory_space<vmem>> -> memref<80x32xf32, #tpu.memory_space<vmem>>
      %dma_wait3A_375 = arith.constant 0 : i32
      %dma_wait3A_376 = tpu.memref_slice %arg5[%add3A_369, %dma_wait3A_375] : memref<125x80xi32, #tpu.memory_space<vmem>> -> memref<1x80xi32, #tpu.memory_space<vmem>>
      %dma_wait3A_377 = tpu.memref_squeeze %dma_wait3A_376 : memref<1x80xi32, #tpu.memory_space<vmem>> -> memref<80xi32, #tpu.memory_space<vmem>>
      %dma_wait3A_378 = arith.constant 0 : i32
      %dma_wait3A_379 = arith.constant 0 : i32
      %dma_wait3A_380 = tpu.memref_slice %arg2[%dma_wait3A_378, %dma_wait3A_379] : memref<10000x32xf32, #tpu.memory_space<hbm>> -> memref<10000x32xf32, #tpu.memory_space<hbm>>
      tpu.wait_indirect_dma semaphore(%arg14 : memref<!tpu.dma_semaphore, #tpu.memory_space<semaphore_mem>>) src(%dma_wait3A_380 : memref<10000x32xf32, #tpu.memory_space<hbm>>) dst(%dma_wait3A_374 : memref<80x32xf32, #tpu.memory_space<vmem>>)
      %dma_start3A_381 = arith.constant 4 : i32
      %dma_start3A_382 = arith.constant 0 : i32
      %dma_start3A_383 = arith.constant 0 : i32
      %dma_start3A_384 = tpu.memref_slice %arg7[%dma_start3A_381, %dma_start3A_382, %dma_start3A_383] : memref<5x80x32xf32, #tpu.memory_space<vmem>> -> memref<1x80x32xf32, #tpu.memory_space<vmem>>
      %dma_start3A_385 = tpu.memref_squeeze %dma_start3A_384 : memref<1x80x32xf32, #tpu.memory_space<vmem>> -> memref<80x32xf32, #tpu.memory_space<vmem>>
      %dma_start3A_386 = arith.constant 0 : i32
      %dma_start3A_387 = tpu.memref_slice %arg6[%add3A_369, %dma_start3A_386] : memref<125x80xi32, #tpu.memory_space<vmem>> -> memref<1x80xi32, #tpu.memory_space<vmem>>
      %dma_start3A_388 = tpu.memref_squeeze %dma_start3A_387 : memref<1x80xi32, #tpu.memory_space<vmem>> -> memref<80xi32, #tpu.memory_space<vmem>>
      %dma_start3A_389 = arith.constant 0 : i32
      %dma_start3A_390 = arith.constant 0 : i32
      %dma_start3A_391 = tpu.memref_slice %arg9[%dma_start3A_389, %dma_start3A_390] : memref<10240x32xf32, #tpu.memory_space<vmem_shared>> -> memref<10240x32xf32, #tpu.memory_space<vmem_shared>>
      tpu.enqueue_indirect_dma source(%dma_start3A_385 : memref<80x32xf32, #tpu.memory_space<vmem>>) target(%dma_start3A_391 : memref<10240x32xf32, #tpu.memory_space<vmem_shared>>) offsets(%dma_start3A_388 : memref<80xi32, #tpu.memory_space<vmem>>) semaphore(%arg19 : memref<!tpu.dma_semaphore, #tpu.memory_space<semaphore_mem>>) {add = true}
      %mul3A_392 = arith.constant 5 : i32
      %mul3A_393 = arith.muli %scan3A_260, %mul3A_392 : i32
      %add3A_394 = arith.constant 0 : i32
      %add3A_395 = arith.addi %mul3A_393, %add3A_394 : i32
      %dma_wait3A_396 = arith.constant 0 : i32
      %dma_wait3A_397 = arith.constant 0 : i32
      %dma_wait3A_398 = arith.constant 0 : i32
      %dma_wait3A_399 = tpu.memref_slice %arg7[%dma_wait3A_396, %dma_wait3A_397, %dma_wait3A_398] : memref<5x80x32xf32, #tpu.memory_space<vmem>> -> memref<1x80x32xf32, #tpu.memory_space<vmem>>
      %dma_wait3A_400 = tpu.memref_squeeze %dma_wait3A_399 : memref<1x80x32xf32, #tpu.memory_space<vmem>> -> memref<80x32xf32, #tpu.memory_space<vmem>>
      %dma_wait3A_401 = arith.constant 0 : i32
      %dma_wait3A_402 = tpu.memref_slice %arg6[%add3A_395, %dma_wait3A_401] : memref<125x80xi32, #tpu.memory_space<vmem>> -> memref<1x80xi32, #tpu.memory_space<vmem>>
      %dma_wait3A_403 = tpu.memref_squeeze %dma_wait3A_402 : memref<1x80xi32, #tpu.memory_space<vmem>> -> memref<80xi32, #tpu.memory_space<vmem>>
      %dma_wait3A_404 = arith.constant 0 : i32
      %dma_wait3A_405 = arith.constant 0 : i32
      %dma_wait3A_406 = tpu.memref_slice %arg9[%dma_wait3A_404, %dma_wait3A_405] : memref<10240x32xf32, #tpu.memory_space<vmem_shared>> -> memref<10240x32xf32, #tpu.memory_space<vmem_shared>>
      tpu.wait_indirect_dma semaphore(%arg15 : memref<!tpu.dma_semaphore, #tpu.memory_space<semaphore_mem>>) src(%dma_wait3A_400 : memref<80x32xf32, #tpu.memory_space<vmem>>) dst(%dma_wait3A_406 : memref<10240x32xf32, #tpu.memory_space<vmem_shared>>)
      %add3A_407 = arith.constant 5 : i32
      %add3A_408 = arith.addi %add3A_395, %add3A_407 : i32
      %dma_start3A_409 = arith.constant 0 : i32
      %dma_start3A_410 = arith.constant 0 : i32
      %dma_start3A_411 = arith.constant 0 : i32
      %dma_start3A_412 = tpu.memref_slice %arg7[%dma_start3A_409, %dma_start3A_410, %dma_start3A_411] : memref<5x80x32xf32, #tpu.memory_space<vmem>> -> memref<1x80x32xf32, #tpu.memory_space<vmem>>
      %dma_start3A_413 = tpu.memref_squeeze %dma_start3A_412 : memref<1x80x32xf32, #tpu.memory_space<vmem>> -> memref<80x32xf32, #tpu.memory_space<vmem>>
      %dma_start3A_414 = arith.constant 0 : i32
      %dma_start3A_415 = tpu.memref_slice %arg5[%add3A_408, %dma_start3A_414] : memref<125x80xi32, #tpu.memory_space<vmem>> -> memref<1x80xi32, #tpu.memory_space<vmem>>
      %dma_start3A_416 = tpu.memref_squeeze %dma_start3A_415 : memref<1x80xi32, #tpu.memory_space<vmem>> -> memref<80xi32, #tpu.memory_space<vmem>>
      %dma_start3A_417 = arith.constant 0 : i32
      %dma_start3A_418 = arith.constant 0 : i32
      %dma_start3A_419 = tpu.memref_slice %arg2[%dma_start3A_417, %dma_start3A_418] : memref<10000x32xf32, #tpu.memory_space<hbm>> -> memref<10000x32xf32, #tpu.memory_space<hbm>>
      tpu.enqueue_indirect_dma source(%dma_start3A_419 : memref<10000x32xf32, #tpu.memory_space<hbm>>) target(%dma_start3A_413 : memref<80x32xf32, #tpu.memory_space<vmem>>) offsets(%dma_start3A_416 : memref<80xi32, #tpu.memory_space<vmem>>) semaphore(%arg10 : memref<!tpu.dma_semaphore, #tpu.memory_space<semaphore_mem>>)
      %mul3A_420 = arith.constant 5 : i32
      %mul3A_421 = arith.muli %scan3A_260, %mul3A_420 : i32
      %add3A_422 = arith.constant 1 : i32
      %add3A_423 = arith.addi %mul3A_421, %add3A_422 : i32
      %dma_wait3A_424 = arith.constant 1 : i32
      %dma_wait3A_425 = arith.constant 0 : i32
      %dma_wait3A_426 = arith.constant 0 : i32
      %dma_wait3A_427 = tpu.memref_slice %arg7[%dma_wait3A_424, %dma_wait3A_425, %dma_wait3A_426] : memref<5x80x32xf32, #tpu.memory_space<vmem>> -> memref<1x80x32xf32, #tpu.memory_space<vmem>>
      %dma_wait3A_428 = tpu.memref_squeeze %dma_wait3A_427 : memref<1x80x32xf32, #tpu.memory_space<vmem>> -> memref<80x32xf32, #tpu.memory_space<vmem>>
      %dma_wait3A_429 = arith.constant 0 : i32
      %dma_wait3A_430 = tpu.memref_slice %arg6[%add3A_423, %dma_wait3A_429] : memref<125x80xi32, #tpu.memory_space<vmem>> -> memref<1x80xi32, #tpu.memory_space<vmem>>
      %dma_wait3A_431 = tpu.memref_squeeze %dma_wait3A_430 : memref<1x80xi32, #tpu.memory_space<vmem>> -> memref<80xi32, #tpu.memory_space<vmem>>
      %dma_wait3A_432 = arith.constant 0 : i32
      %dma_wait3A_433 = arith.constant 0 : i32
      %dma_wait3A_434 = tpu.memref_slice %arg9[%dma_wait3A_432, %dma_wait3A_433] : memref<10240x32xf32, #tpu.memory_space<vmem_shared>> -> memref<10240x32xf32, #tpu.memory_space<vmem_shared>>
      tpu.wait_indirect_dma semaphore(%arg16 : memref<!tpu.dma_semaphore, #tpu.memory_space<semaphore_mem>>) src(%dma_wait3A_428 : memref<80x32xf32, #tpu.memory_space<vmem>>) dst(%dma_wait3A_434 : memref<10240x32xf32, #tpu.memory_space<vmem_shared>>)
      %add3A_435 = arith.constant 5 : i32
      %add3A_436 = arith.addi %add3A_423, %add3A_435 : i32
      %dma_start3A_437 = arith.constant 1 : i32
      %dma_start3A_438 = arith.constant 0 : i32
      %dma_start3A_439 = arith.constant 0 : i32
      %dma_start3A_440 = tpu.memref_slice %arg7[%dma_start3A_437, %dma_start3A_438, %dma_start3A_439] : memref<5x80x32xf32, #tpu.memory_space<vmem>> -> memref<1x80x32xf32, #tpu.memory_space<vmem>>
      %dma_start3A_441 = tpu.memref_squeeze %dma_start3A_440 : memref<1x80x32xf32, #tpu.memory_space<vmem>> -> memref<80x32xf32, #tpu.memory_space<vmem>>
      %dma_start3A_442 = arith.constant 0 : i32
      %dma_start3A_443 = tpu.memref_slice %arg5[%add3A_436, %dma_start3A_442] : memref<125x80xi32, #tpu.memory_space<vmem>> -> memref<1x80xi32, #tpu.memory_space<vmem>>
      %dma_start3A_444 = tpu.memref_squeeze %dma_start3A_443 : memref<1x80xi32, #tpu.memory_space<vmem>> -> memref<80xi32, #tpu.memory_space<vmem>>
      %dma_start3A_445 = arith.constant 0 : i32
      %dma_start3A_446 = arith.constant 0 : i32
      %dma_start3A_447 = tpu.memref_slice %arg2[%dma_start3A_445, %dma_start3A_446] : memref<10000x32xf32, #tpu.memory_space<hbm>> -> memref<10000x32xf32, #tpu.memory_space<hbm>>
      tpu.enqueue_indirect_dma source(%dma_start3A_447 : memref<10000x32xf32, #tpu.memory_space<hbm>>) target(%dma_start3A_441 : memref<80x32xf32, #tpu.memory_space<vmem>>) offsets(%dma_start3A_444 : memref<80xi32, #tpu.memory_space<vmem>>) semaphore(%arg11 : memref<!tpu.dma_semaphore, #tpu.memory_space<semaphore_mem>>)
      %mul3A_448 = arith.constant 5 : i32
      %mul3A_449 = arith.muli %scan3A_260, %mul3A_448 : i32
      %add3A_450 = arith.constant 2 : i32
      %add3A_451 = arith.addi %mul3A_449, %add3A_450 : i32
      %dma_wait3A_452 = arith.constant 2 : i32
      %dma_wait3A_453 = arith.constant 0 : i32
      %dma_wait3A_454 = arith.constant 0 : i32
      %dma_wait3A_455 = tpu.memref_slice %arg7[%dma_wait3A_452, %dma_wait3A_453, %dma_wait3A_454] : memref<5x80x32xf32, #tpu.memory_space<vmem>> -> memref<1x80x32xf32, #tpu.memory_space<vmem>>
      %dma_wait3A_456 = tpu.memref_squeeze %dma_wait3A_455 : memref<1x80x32xf32, #tpu.memory_space<vmem>> -> memref<80x32xf32, #tpu.memory_space<vmem>>
      %dma_wait3A_457 = arith.constant 0 : i32
      %dma_wait3A_458 = tpu.memref_slice %arg6[%add3A_451, %dma_wait3A_457] : memref<125x80xi32, #tpu.memory_space<vmem>> -> memref<1x80xi32, #tpu.memory_space<vmem>>
      %dma_wait3A_459 = tpu.memref_squeeze %dma_wait3A_458 : memref<1x80xi32, #tpu.memory_space<vmem>> -> memref<80xi32, #tpu.memory_space<vmem>>
      %dma_wait3A_460 = arith.constant 0 : i32
      %dma_wait3A_461 = arith.constant 0 : i32
      %dma_wait3A_462 = tpu.memref_slice %arg9[%dma_wait3A_460, %dma_wait3A_461] : memref<10240x32xf32, #tpu.memory_space<vmem_shared>> -> memref<10240x32xf32, #tpu.memory_space<vmem_shared>>
      tpu.wait_indirect_dma semaphore(%arg17 : memref<!tpu.dma_semaphore, #tpu.memory_space<semaphore_mem>>) src(%dma_wait3A_456 : memref<80x32xf32, #tpu.memory_space<vmem>>) dst(%dma_wait3A_462 : memref<10240x32xf32, #tpu.memory_space<vmem_shared>>)
      %add3A_463 = arith.constant 5 : i32
      %add3A_464 = arith.addi %add3A_451, %add3A_463 : i32
      %dma_start3A_465 = arith.constant 2 : i32
      %dma_start3A_466 = arith.constant 0 : i32
      %dma_start3A_467 = arith.constant 0 : i32
      %dma_start3A_468 = tpu.memref_slice %arg7[%dma_start3A_465, %dma_start3A_466, %dma_start3A_467] : memref<5x80x32xf32, #tpu.memory_space<vmem>> -> memref<1x80x32xf32, #tpu.memory_space<vmem>>
      %dma_start3A_469 = tpu.memref_squeeze %dma_start3A_468 : memref<1x80x32xf32, #tpu.memory_space<vmem>> -> memref<80x32xf32, #tpu.memory_space<vmem>>
      %dma_start3A_470 = arith.constant 0 : i32
      %dma_start3A_471 = tpu.memref_slice %arg5[%add3A_464, %dma_start3A_470] : memref<125x80xi32, #tpu.memory_space<vmem>> -> memref<1x80xi32, #tpu.memory_space<vmem>>
      %dma_start3A_472 = tpu.memref_squeeze %dma_start3A_471 : memref<1x80xi32, #tpu.memory_space<vmem>> -> memref<80xi32, #tpu.memory_space<vmem>>
      %dma_start3A_473 = arith.constant 0 : i32
      %dma_start3A_474 = arith.constant 0 : i32
      %dma_start3A_475 = tpu.memref_slice %arg2[%dma_start3A_473, %dma_start3A_474] : memref<10000x32xf32, #tpu.memory_space<hbm>> -> memref<10000x32xf32, #tpu.memory_space<hbm>>
      tpu.enqueue_indirect_dma source(%dma_start3A_475 : memref<10000x32xf32, #tpu.memory_space<hbm>>) target(%dma_start3A_469 : memref<80x32xf32, #tpu.memory_space<vmem>>) offsets(%dma_start3A_472 : memref<80xi32, #tpu.memory_space<vmem>>) semaphore(%arg12 : memref<!tpu.dma_semaphore, #tpu.memory_space<semaphore_mem>>)
      %mul3A_476 = arith.constant 5 : i32
      %mul3A_477 = arith.muli %scan3A_260, %mul3A_476 : i32
      %add3A_478 = arith.constant 3 : i32
      %add3A_479 = arith.addi %mul3A_477, %add3A_478 : i32
      %dma_wait3A_480 = arith.constant 3 : i32
      %dma_wait3A_481 = arith.constant 0 : i32
      %dma_wait3A_482 = arith.constant 0 : i32
      %dma_wait3A_483 = tpu.memref_slice %arg7[%dma_wait3A_480, %dma_wait3A_481, %dma_wait3A_482] : memref<5x80x32xf32, #tpu.memory_space<vmem>> -> memref<1x80x32xf32, #tpu.memory_space<vmem>>
      %dma_wait3A_484 = tpu.memref_squeeze %dma_wait3A_483 : memref<1x80x32xf32, #tpu.memory_space<vmem>> -> memref<80x32xf32, #tpu.memory_space<vmem>>
      %dma_wait3A_485 = arith.constant 0 : i32
      %dma_wait3A_486 = tpu.memref_slice %arg6[%add3A_479, %dma_wait3A_485] : memref<125x80xi32, #tpu.memory_space<vmem>> -> memref<1x80xi32, #tpu.memory_space<vmem>>
      %dma_wait3A_487 = tpu.memref_squeeze %dma_wait3A_486 : memref<1x80xi32, #tpu.memory_space<vmem>> -> memref<80xi32, #tpu.memory_space<vmem>>
      %dma_wait3A_488 = arith.constant 0 : i32
      %dma_wait3A_489 = arith.constant 0 : i32
      %dma_wait3A_490 = tpu.memref_slice %arg9[%dma_wait3A_488, %dma_wait3A_489] : memref<10240x32xf32, #tpu.memory_space<vmem_shared>> -> memref<10240x32xf32, #tpu.memory_space<vmem_shared>>
      tpu.wait_indirect_dma semaphore(%arg18 : memref<!tpu.dma_semaphore, #tpu.memory_space<semaphore_mem>>) src(%dma_wait3A_484 : memref<80x32xf32, #tpu.memory_space<vmem>>) dst(%dma_wait3A_490 : memref<10240x32xf32, #tpu.memory_space<vmem_shared>>)
      %add3A_491 = arith.constant 5 : i32
      %add3A_492 = arith.addi %add3A_479, %add3A_491 : i32
      %dma_start3A_493 = arith.constant 3 : i32
      %dma_start3A_494 = arith.constant 0 : i32
      %dma_start3A_495 = arith.constant 0 : i32
      %dma_start3A_496 = tpu.memref_slice %arg7[%dma_start3A_493, %dma_start3A_494, %dma_start3A_495] : memref<5x80x32xf32, #tpu.memory_space<vmem>> -> memref<1x80x32xf32, #tpu.memory_space<vmem>>
      %dma_start3A_497 = tpu.memref_squeeze %dma_start3A_496 : memref<1x80x32xf32, #tpu.memory_space<vmem>> -> memref<80x32xf32, #tpu.memory_space<vmem>>
      %dma_start3A_498 = arith.constant 0 : i32
      %dma_start3A_499 = tpu.memref_slice %arg5[%add3A_492, %dma_start3A_498] : memref<125x80xi32, #tpu.memory_space<vmem>> -> memref<1x80xi32, #tpu.memory_space<vmem>>
      %dma_start3A_500 = tpu.memref_squeeze %dma_start3A_499 : memref<1x80xi32, #tpu.memory_space<vmem>> -> memref<80xi32, #tpu.memory_space<vmem>>
      %dma_start3A_501 = arith.constant 0 : i32
      %dma_start3A_502 = arith.constant 0 : i32
      %dma_start3A_503 = tpu.memref_slice %arg2[%dma_start3A_501, %dma_start3A_502] : memref<10000x32xf32, #tpu.memory_space<hbm>> -> memref<10000x32xf32, #tpu.memory_space<hbm>>
      tpu.enqueue_indirect_dma source(%dma_start3A_503 : memref<10000x32xf32, #tpu.memory_space<hbm>>) target(%dma_start3A_497 : memref<80x32xf32, #tpu.memory_space<vmem>>) offsets(%dma_start3A_500 : memref<80xi32, #tpu.memory_space<vmem>>) semaphore(%arg13 : memref<!tpu.dma_semaphore, #tpu.memory_space<semaphore_mem>>)
      %mul3A_504 = arith.constant 5 : i32
      %mul3A_505 = arith.muli %scan3A_260, %mul3A_504 : i32
      %add3A_506 = arith.constant 4 : i32
      %add3A_507 = arith.addi %mul3A_505, %add3A_506 : i32
      %dma_wait3A_508 = arith.constant 4 : i32
      %dma_wait3A_509 = arith.constant 0 : i32
      %dma_wait3A_510 = arith.constant 0 : i32
      %dma_wait3A_511 = tpu.memref_slice %arg7[%dma_wait3A_508, %dma_wait3A_509, %dma_wait3A_510] : memref<5x80x32xf32, #tpu.memory_space<vmem>> -> memref<1x80x32xf32, #tpu.memory_space<vmem>>
      %dma_wait3A_512 = tpu.memref_squeeze %dma_wait3A_511 : memref<1x80x32xf32, #tpu.memory_space<vmem>> -> memref<80x32xf32, #tpu.memory_space<vmem>>
      %dma_wait3A_513 = arith.constant 0 : i32
      %dma_wait3A_514 = tpu.memref_slice %arg6[%add3A_507, %dma_wait3A_513] : memref<125x80xi32, #tpu.memory_space<vmem>> -> memref<1x80xi32, #tpu.memory_space<vmem>>
      %dma_wait3A_515 = tpu.memref_squeeze %dma_wait3A_514 : memref<1x80xi32, #tpu.memory_space<vmem>> -> memref<80xi32, #tpu.memory_space<vmem>>
      %dma_wait3A_516 = arith.constant 0 : i32
      %dma_wait3A_517 = arith.constant 0 : i32
      %dma_wait3A_518 = tpu.memref_slice %arg9[%dma_wait3A_516, %dma_wait3A_517] : memref<10240x32xf32, #tpu.memory_space<vmem_shared>> -> memref<10240x32xf32, #tpu.memory_space<vmem_shared>>
      tpu.wait_indirect_dma semaphore(%arg19 : memref<!tpu.dma_semaphore, #tpu.memory_space<semaphore_mem>>) src(%dma_wait3A_512 : memref<80x32xf32, #tpu.memory_space<vmem>>) dst(%dma_wait3A_518 : memref<10240x32xf32, #tpu.memory_space<vmem_shared>>)
      %add3A_519 = arith.constant 5 : i32
      %add3A_520 = arith.addi %add3A_507, %add3A_519 : i32
      %dma_start3A_521 = arith.constant 4 : i32
      %dma_start3A_522 = arith.constant 0 : i32
      %dma_start3A_523 = arith.constant 0 : i32
      %dma_start3A_524 = tpu.memref_slice %arg7[%dma_start3A_521, %dma_start3A_522, %dma_start3A_523] : memref<5x80x32xf32, #tpu.memory_space<vmem>> -> memref<1x80x32xf32, #tpu.memory_space<vmem>>
      %dma_start3A_525 = tpu.memref_squeeze %dma_start3A_524 : memref<1x80x32xf32, #tpu.memory_space<vmem>> -> memref<80x32xf32, #tpu.memory_space<vmem>>
      %dma_start3A_526 = arith.constant 0 : i32
      %dma_start3A_527 = tpu.memref_slice %arg5[%add3A_520, %dma_start3A_526] : memref<125x80xi32, #tpu.memory_space<vmem>> -> memref<1x80xi32, #tpu.memory_space<vmem>>
      %dma_start3A_528 = tpu.memref_squeeze %dma_start3A_527 : memref<1x80xi32, #tpu.memory_space<vmem>> -> memref<80xi32, #tpu.memory_space<vmem>>
      %dma_start3A_529 = arith.constant 0 : i32
      %dma_start3A_530 = arith.constant 0 : i32
      %dma_start3A_531 = tpu.memref_slice %arg2[%dma_start3A_529, %dma_start3A_530] : memref<10000x32xf32, #tpu.memory_space<hbm>> -> memref<10000x32xf32, #tpu.memory_space<hbm>>
      tpu.enqueue_indirect_dma source(%dma_start3A_531 : memref<10000x32xf32, #tpu.memory_space<hbm>>) target(%dma_start3A_525 : memref<80x32xf32, #tpu.memory_space<vmem>>) offsets(%dma_start3A_528 : memref<80xi32, #tpu.memory_space<vmem>>) semaphore(%arg14 : memref<!tpu.dma_semaphore, #tpu.memory_space<semaphore_mem>>)
      %scan3A_532 = arith.constant 0 : i32
      scf.yield %scan3A_532 : i32
    }
    %scan3A_75 = arith.constant 24 : i32
    %dma_wait3A = arith.constant 120 : i32
    %dma_wait3A_76 = arith.constant 0 : i32
    %dma_wait3A_77 = arith.constant 0 : i32
    %dma_wait3A_78 = arith.constant 0 : i32
    %dma_wait3A_79 = tpu.memref_slice %arg7[%dma_wait3A_76, %dma_wait3A_77, %dma_wait3A_78] : memref<5x80x32xf32, #tpu.memory_space<vmem>> -> memref<1x80x32xf32, #tpu.memory_space<vmem>>
    %dma_wait3A_80 = tpu.memref_squeeze %dma_wait3A_79 : memref<1x80x32xf32, #tpu.memory_space<vmem>> -> memref<80x32xf32, #tpu.memory_space<vmem>>
    %dma_wait3A_81 = arith.constant 0 : i32
    %dma_wait3A_82 = tpu.memref_slice %arg5[%dma_wait3A, %dma_wait3A_81] : memref<125x80xi32, #tpu.memory_space<vmem>> -> memref<1x80xi32, #tpu.memory_space<vmem>>
    %dma_wait3A_83 = tpu.memref_squeeze %dma_wait3A_82 : memref<1x80xi32, #tpu.memory_space<vmem>> -> memref<80xi32, #tpu.memory_space<vmem>>
    %dma_wait3A_84 = arith.constant 0 : i32
    %dma_wait3A_85 = arith.constant 0 : i32
    %dma_wait3A_86 = tpu.memref_slice %arg2[%dma_wait3A_84, %dma_wait3A_85] : memref<10000x32xf32, #tpu.memory_space<hbm>> -> memref<10000x32xf32, #tpu.memory_space<hbm>>
    tpu.wait_indirect_dma semaphore(%arg10 : memref<!tpu.dma_semaphore, #tpu.memory_space<semaphore_mem>>) src(%dma_wait3A_86 : memref<10000x32xf32, #tpu.memory_space<hbm>>) dst(%dma_wait3A_80 : memref<80x32xf32, #tpu.memory_space<vmem>>)
    %dma_start3A_87 = arith.constant 0 : i32
    %dma_start3A_88 = arith.constant 120 : i32
    %dma_start3A_89 = arith.constant 0 : i32
    %dma_start3A_90 = arith.constant 0 : i32
    %dma_start3A_91 = tpu.memref_slice %arg7[%dma_start3A_87, %dma_start3A_89, %dma_start3A_90] : memref<5x80x32xf32, #tpu.memory_space<vmem>> -> memref<1x80x32xf32, #tpu.memory_space<vmem>>
    %dma_start3A_92 = tpu.memref_squeeze %dma_start3A_91 : memref<1x80x32xf32, #tpu.memory_space<vmem>> -> memref<80x32xf32, #tpu.memory_space<vmem>>
    %dma_start3A_93 = arith.constant 0 : i32
    %dma_start3A_94 = tpu.memref_slice %arg6[%dma_start3A_88, %dma_start3A_93] : memref<125x80xi32, #tpu.memory_space<vmem>> -> memref<1x80xi32, #tpu.memory_space<vmem>>
    %dma_start3A_95 = tpu.memref_squeeze %dma_start3A_94 : memref<1x80xi32, #tpu.memory_space<vmem>> -> memref<80xi32, #tpu.memory_space<vmem>>
    %dma_start3A_96 = arith.constant 0 : i32
    %dma_start3A_97 = arith.constant 0 : i32
    %dma_start3A_98 = tpu.memref_slice %arg9[%dma_start3A_96, %dma_start3A_97] : memref<10240x32xf32, #tpu.memory_space<vmem_shared>> -> memref<10240x32xf32, #tpu.memory_space<vmem_shared>>
    tpu.enqueue_indirect_dma source(%dma_start3A_92 : memref<80x32xf32, #tpu.memory_space<vmem>>) target(%dma_start3A_98 : memref<10240x32xf32, #tpu.memory_space<vmem_shared>>) offsets(%dma_start3A_95 : memref<80xi32, #tpu.memory_space<vmem>>) semaphore(%arg15 : memref<!tpu.dma_semaphore, #tpu.memory_space<semaphore_mem>>) {add = true}
    %dma_wait3A_99 = arith.constant 121 : i32
    %dma_wait3A_100 = arith.constant 1 : i32
    %dma_wait3A_101 = arith.constant 0 : i32
    %dma_wait3A_102 = arith.constant 0 : i32
    %dma_wait3A_103 = tpu.memref_slice %arg7[%dma_wait3A_100, %dma_wait3A_101, %dma_wait3A_102] : memref<5x80x32xf32, #tpu.memory_space<vmem>> -> memref<1x80x32xf32, #tpu.memory_space<vmem>>
    %dma_wait3A_104 = tpu.memref_squeeze %dma_wait3A_103 : memref<1x80x32xf32, #tpu.memory_space<vmem>> -> memref<80x32xf32, #tpu.memory_space<vmem>>
    %dma_wait3A_105 = arith.constant 0 : i32
    %dma_wait3A_106 = tpu.memref_slice %arg5[%dma_wait3A_99, %dma_wait3A_105] : memref<125x80xi32, #tpu.memory_space<vmem>> -> memref<1x80xi32, #tpu.memory_space<vmem>>
    %dma_wait3A_107 = tpu.memref_squeeze %dma_wait3A_106 : memref<1x80xi32, #tpu.memory_space<vmem>> -> memref<80xi32, #tpu.memory_space<vmem>>
    %dma_wait3A_108 = arith.constant 0 : i32
    %dma_wait3A_109 = arith.constant 0 : i32
    %dma_wait3A_110 = tpu.memref_slice %arg2[%dma_wait3A_108, %dma_wait3A_109] : memref<10000x32xf32, #tpu.memory_space<hbm>> -> memref<10000x32xf32, #tpu.memory_space<hbm>>
    tpu.wait_indirect_dma semaphore(%arg11 : memref<!tpu.dma_semaphore, #tpu.memory_space<semaphore_mem>>) src(%dma_wait3A_110 : memref<10000x32xf32, #tpu.memory_space<hbm>>) dst(%dma_wait3A_104 : memref<80x32xf32, #tpu.memory_space<vmem>>)
    %dma_start3A_111 = arith.constant 1 : i32
    %dma_start3A_112 = arith.constant 121 : i32
    %dma_start3A_113 = arith.constant 0 : i32
    %dma_start3A_114 = arith.constant 0 : i32
    %dma_start3A_115 = tpu.memref_slice %arg7[%dma_start3A_111, %dma_start3A_113, %dma_start3A_114] : memref<5x80x32xf32, #tpu.memory_space<vmem>> -> memref<1x80x32xf32, #tpu.memory_space<vmem>>
    %dma_start3A_116 = tpu.memref_squeeze %dma_start3A_115 : memref<1x80x32xf32, #tpu.memory_space<vmem>> -> memref<80x32xf32, #tpu.memory_space<vmem>>
    %dma_start3A_117 = arith.constant 0 : i32
    %dma_start3A_118 = tpu.memref_slice %arg6[%dma_start3A_112, %dma_start3A_117] : memref<125x80xi32, #tpu.memory_space<vmem>> -> memref<1x80xi32, #tpu.memory_space<vmem>>
    %dma_start3A_119 = tpu.memref_squeeze %dma_start3A_118 : memref<1x80xi32, #tpu.memory_space<vmem>> -> memref<80xi32, #tpu.memory_space<vmem>>
    %dma_start3A_120 = arith.constant 0 : i32
    %dma_start3A_121 = arith.constant 0 : i32
    %dma_start3A_122 = tpu.memref_slice %arg9[%dma_start3A_120, %dma_start3A_121] : memref<10240x32xf32, #tpu.memory_space<vmem_shared>> -> memref<10240x32xf32, #tpu.memory_space<vmem_shared>>
    tpu.enqueue_indirect_dma source(%dma_start3A_116 : memref<80x32xf32, #tpu.memory_space<vmem>>) target(%dma_start3A_122 : memref<10240x32xf32, #tpu.memory_space<vmem_shared>>) offsets(%dma_start3A_119 : memref<80xi32, #tpu.memory_space<vmem>>) semaphore(%arg16 : memref<!tpu.dma_semaphore, #tpu.memory_space<semaphore_mem>>) {add = true}
    %dma_wait3A_123 = arith.constant 122 : i32
    %dma_wait3A_124 = arith.constant 2 : i32
    %dma_wait3A_125 = arith.constant 0 : i32
    %dma_wait3A_126 = arith.constant 0 : i32
    %dma_wait3A_127 = tpu.memref_slice %arg7[%dma_wait3A_124, %dma_wait3A_125, %dma_wait3A_126] : memref<5x80x32xf32, #tpu.memory_space<vmem>> -> memref<1x80x32xf32, #tpu.memory_space<vmem>>
    %dma_wait3A_128 = tpu.memref_squeeze %dma_wait3A_127 : memref<1x80x32xf32, #tpu.memory_space<vmem>> -> memref<80x32xf32, #tpu.memory_space<vmem>>
    %dma_wait3A_129 = arith.constant 0 : i32
    %dma_wait3A_130 = tpu.memref_slice %arg5[%dma_wait3A_123, %dma_wait3A_129] : memref<125x80xi32, #tpu.memory_space<vmem>> -> memref<1x80xi32, #tpu.memory_space<vmem>>
    %dma_wait3A_131 = tpu.memref_squeeze %dma_wait3A_130 : memref<1x80xi32, #tpu.memory_space<vmem>> -> memref<80xi32, #tpu.memory_space<vmem>>
    %dma_wait3A_132 = arith.constant 0 : i32
    %dma_wait3A_133 = arith.constant 0 : i32
    %dma_wait3A_134 = tpu.memref_slice %arg2[%dma_wait3A_132, %dma_wait3A_133] : memref<10000x32xf32, #tpu.memory_space<hbm>> -> memref<10000x32xf32, #tpu.memory_space<hbm>>
    tpu.wait_indirect_dma semaphore(%arg12 : memref<!tpu.dma_semaphore, #tpu.memory_space<semaphore_mem>>) src(%dma_wait3A_134 : memref<10000x32xf32, #tpu.memory_space<hbm>>) dst(%dma_wait3A_128 : memref<80x32xf32, #tpu.memory_space<vmem>>)
    %dma_start3A_135 = arith.constant 2 : i32
    %dma_start3A_136 = arith.constant 122 : i32
    %dma_start3A_137 = arith.constant 0 : i32
    %dma_start3A_138 = arith.constant 0 : i32
    %dma_start3A_139 = tpu.memref_slice %arg7[%dma_start3A_135, %dma_start3A_137, %dma_start3A_138] : memref<5x80x32xf32, #tpu.memory_space<vmem>> -> memref<1x80x32xf32, #tpu.memory_space<vmem>>
    %dma_start3A_140 = tpu.memref_squeeze %dma_start3A_139 : memref<1x80x32xf32, #tpu.memory_space<vmem>> -> memref<80x32xf32, #tpu.memory_space<vmem>>
    %dma_start3A_141 = arith.constant 0 : i32
    %dma_start3A_142 = tpu.memref_slice %arg6[%dma_start3A_136, %dma_start3A_141] : memref<125x80xi32, #tpu.memory_space<vmem>> -> memref<1x80xi32, #tpu.memory_space<vmem>>
    %dma_start3A_143 = tpu.memref_squeeze %dma_start3A_142 : memref<1x80xi32, #tpu.memory_space<vmem>> -> memref<80xi32, #tpu.memory_space<vmem>>
    %dma_start3A_144 = arith.constant 0 : i32
    %dma_start3A_145 = arith.constant 0 : i32
    %dma_start3A_146 = tpu.memref_slice %arg9[%dma_start3A_144, %dma_start3A_145] : memref<10240x32xf32, #tpu.memory_space<vmem_shared>> -> memref<10240x32xf32, #tpu.memory_space<vmem_shared>>
    tpu.enqueue_indirect_dma source(%dma_start3A_140 : memref<80x32xf32, #tpu.memory_space<vmem>>) target(%dma_start3A_146 : memref<10240x32xf32, #tpu.memory_space<vmem_shared>>) offsets(%dma_start3A_143 : memref<80xi32, #tpu.memory_space<vmem>>) semaphore(%arg17 : memref<!tpu.dma_semaphore, #tpu.memory_space<semaphore_mem>>) {add = true}
    %dma_wait3A_147 = arith.constant 123 : i32
    %dma_wait3A_148 = arith.constant 3 : i32
    %dma_wait3A_149 = arith.constant 0 : i32
    %dma_wait3A_150 = arith.constant 0 : i32
    %dma_wait3A_151 = tpu.memref_slice %arg7[%dma_wait3A_148, %dma_wait3A_149, %dma_wait3A_150] : memref<5x80x32xf32, #tpu.memory_space<vmem>> -> memref<1x80x32xf32, #tpu.memory_space<vmem>>
    %dma_wait3A_152 = tpu.memref_squeeze %dma_wait3A_151 : memref<1x80x32xf32, #tpu.memory_space<vmem>> -> memref<80x32xf32, #tpu.memory_space<vmem>>
    %dma_wait3A_153 = arith.constant 0 : i32
    %dma_wait3A_154 = tpu.memref_slice %arg5[%dma_wait3A_147, %dma_wait3A_153] : memref<125x80xi32, #tpu.memory_space<vmem>> -> memref<1x80xi32, #tpu.memory_space<vmem>>
    %dma_wait3A_155 = tpu.memref_squeeze %dma_wait3A_154 : memref<1x80xi32, #tpu.memory_space<vmem>> -> memref<80xi32, #tpu.memory_space<vmem>>
    %dma_wait3A_156 = arith.constant 0 : i32
    %dma_wait3A_157 = arith.constant 0 : i32
    %dma_wait3A_158 = tpu.memref_slice %arg2[%dma_wait3A_156, %dma_wait3A_157] : memref<10000x32xf32, #tpu.memory_space<hbm>> -> memref<10000x32xf32, #tpu.memory_space<hbm>>
    tpu.wait_indirect_dma semaphore(%arg13 : memref<!tpu.dma_semaphore, #tpu.memory_space<semaphore_mem>>) src(%dma_wait3A_158 : memref<10000x32xf32, #tpu.memory_space<hbm>>) dst(%dma_wait3A_152 : memref<80x32xf32, #tpu.memory_space<vmem>>)
    %dma_start3A_159 = arith.constant 3 : i32
    %dma_start3A_160 = arith.constant 123 : i32
    %dma_start3A_161 = arith.constant 0 : i32
    %dma_start3A_162 = arith.constant 0 : i32
    %dma_start3A_163 = tpu.memref_slice %arg7[%dma_start3A_159, %dma_start3A_161, %dma_start3A_162] : memref<5x80x32xf32, #tpu.memory_space<vmem>> -> memref<1x80x32xf32, #tpu.memory_space<vmem>>
    %dma_start3A_164 = tpu.memref_squeeze %dma_start3A_163 : memref<1x80x32xf32, #tpu.memory_space<vmem>> -> memref<80x32xf32, #tpu.memory_space<vmem>>
    %dma_start3A_165 = arith.constant 0 : i32
    %dma_start3A_166 = tpu.memref_slice %arg6[%dma_start3A_160, %dma_start3A_165] : memref<125x80xi32, #tpu.memory_space<vmem>> -> memref<1x80xi32, #tpu.memory_space<vmem>>
    %dma_start3A_167 = tpu.memref_squeeze %dma_start3A_166 : memref<1x80xi32, #tpu.memory_space<vmem>> -> memref<80xi32, #tpu.memory_space<vmem>>
    %dma_start3A_168 = arith.constant 0 : i32
    %dma_start3A_169 = arith.constant 0 : i32
    %dma_start3A_170 = tpu.memref_slice %arg9[%dma_start3A_168, %dma_start3A_169] : memref<10240x32xf32, #tpu.memory_space<vmem_shared>> -> memref<10240x32xf32, #tpu.memory_space<vmem_shared>>
    tpu.enqueue_indirect_dma source(%dma_start3A_164 : memref<80x32xf32, #tpu.memory_space<vmem>>) target(%dma_start3A_170 : memref<10240x32xf32, #tpu.memory_space<vmem_shared>>) offsets(%dma_start3A_167 : memref<80xi32, #tpu.memory_space<vmem>>) semaphore(%arg18 : memref<!tpu.dma_semaphore, #tpu.memory_space<semaphore_mem>>) {add = true}
    %dma_wait3A_171 = arith.constant 124 : i32
    %dma_wait3A_172 = arith.constant 4 : i32
    %dma_wait3A_173 = arith.constant 0 : i32
    %dma_wait3A_174 = arith.constant 0 : i32
    %dma_wait3A_175 = tpu.memref_slice %arg7[%dma_wait3A_172, %dma_wait3A_173, %dma_wait3A_174] : memref<5x80x32xf32, #tpu.memory_space<vmem>> -> memref<1x80x32xf32, #tpu.memory_space<vmem>>
    %dma_wait3A_176 = tpu.memref_squeeze %dma_wait3A_175 : memref<1x80x32xf32, #tpu.memory_space<vmem>> -> memref<80x32xf32, #tpu.memory_space<vmem>>
    %dma_wait3A_177 = arith.constant 0 : i32
    %dma_wait3A_178 = tpu.memref_slice %arg5[%dma_wait3A_171, %dma_wait3A_177] : memref<125x80xi32, #tpu.memory_space<vmem>> -> memref<1x80xi32, #tpu.memory_space<vmem>>
    %dma_wait3A_179 = tpu.memref_squeeze %dma_wait3A_178 : memref<1x80xi32, #tpu.memory_space<vmem>> -> memref<80xi32, #tpu.memory_space<vmem>>
    %dma_wait3A_180 = arith.constant 0 : i32
    %dma_wait3A_181 = arith.constant 0 : i32
    %dma_wait3A_182 = tpu.memref_slice %arg2[%dma_wait3A_180, %dma_wait3A_181] : memref<10000x32xf32, #tpu.memory_space<hbm>> -> memref<10000x32xf32, #tpu.memory_space<hbm>>
    tpu.wait_indirect_dma semaphore(%arg14 : memref<!tpu.dma_semaphore, #tpu.memory_space<semaphore_mem>>) src(%dma_wait3A_182 : memref<10000x32xf32, #tpu.memory_space<hbm>>) dst(%dma_wait3A_176 : memref<80x32xf32, #tpu.memory_space<vmem>>)
    %dma_start3A_183 = arith.constant 4 : i32
    %dma_start3A_184 = arith.constant 124 : i32
    %dma_start3A_185 = arith.constant 0 : i32
    %dma_start3A_186 = arith.constant 0 : i32
    %dma_start3A_187 = tpu.memref_slice %arg7[%dma_start3A_183, %dma_start3A_185, %dma_start3A_186] : memref<5x80x32xf32, #tpu.memory_space<vmem>> -> memref<1x80x32xf32, #tpu.memory_space<vmem>>
    %dma_start3A_188 = tpu.memref_squeeze %dma_start3A_187 : memref<1x80x32xf32, #tpu.memory_space<vmem>> -> memref<80x32xf32, #tpu.memory_space<vmem>>
    %dma_start3A_189 = arith.constant 0 : i32
    %dma_start3A_190 = tpu.memref_slice %arg6[%dma_start3A_184, %dma_start3A_189] : memref<125x80xi32, #tpu.memory_space<vmem>> -> memref<1x80xi32, #tpu.memory_space<vmem>>
    %dma_start3A_191 = tpu.memref_squeeze %dma_start3A_190 : memref<1x80xi32, #tpu.memory_space<vmem>> -> memref<80xi32, #tpu.memory_space<vmem>>
    %dma_start3A_192 = arith.constant 0 : i32
    %dma_start3A_193 = arith.constant 0 : i32
    %dma_start3A_194 = tpu.memref_slice %arg9[%dma_start3A_192, %dma_start3A_193] : memref<10240x32xf32, #tpu.memory_space<vmem_shared>> -> memref<10240x32xf32, #tpu.memory_space<vmem_shared>>
    tpu.enqueue_indirect_dma source(%dma_start3A_188 : memref<80x32xf32, #tpu.memory_space<vmem>>) target(%dma_start3A_194 : memref<10240x32xf32, #tpu.memory_space<vmem_shared>>) offsets(%dma_start3A_191 : memref<80xi32, #tpu.memory_space<vmem>>) semaphore(%arg19 : memref<!tpu.dma_semaphore, #tpu.memory_space<semaphore_mem>>) {add = true}
    %dma_wait3A_195 = arith.constant 0 : i32
    %dma_wait3A_196 = arith.constant 120 : i32
    %dma_wait3A_197 = arith.constant 0 : i32
    %dma_wait3A_198 = arith.constant 0 : i32
    %dma_wait3A_199 = tpu.memref_slice %arg7[%dma_wait3A_195, %dma_wait3A_197, %dma_wait3A_198] : memref<5x80x32xf32, #tpu.memory_space<vmem>> -> memref<1x80x32xf32, #tpu.memory_space<vmem>>
    %dma_wait3A_200 = tpu.memref_squeeze %dma_wait3A_199 : memref<1x80x32xf32, #tpu.memory_space<vmem>> -> memref<80x32xf32, #tpu.memory_space<vmem>>
    %dma_wait3A_201 = arith.constant 0 : i32
    %dma_wait3A_202 = tpu.memref_slice %arg6[%dma_wait3A_196, %dma_wait3A_201] : memref<125x80xi32, #tpu.memory_space<vmem>> -> memref<1x80xi32, #tpu.memory_space<vmem>>
    %dma_wait3A_203 = tpu.memref_squeeze %dma_wait3A_202 : memref<1x80xi32, #tpu.memory_space<vmem>> -> memref<80xi32, #tpu.memory_space<vmem>>
    %dma_wait3A_204 = arith.constant 0 : i32
    %dma_wait3A_205 = arith.constant 0 : i32
    %dma_wait3A_206 = tpu.memref_slice %arg9[%dma_wait3A_204, %dma_wait3A_205] : memref<10240x32xf32, #tpu.memory_space<vmem_shared>> -> memref<10240x32xf32, #tpu.memory_space<vmem_shared>>
    tpu.wait_indirect_dma semaphore(%arg15 : memref<!tpu.dma_semaphore, #tpu.memory_space<semaphore_mem>>) src(%dma_wait3A_200 : memref<80x32xf32, #tpu.memory_space<vmem>>) dst(%dma_wait3A_206 : memref<10240x32xf32, #tpu.memory_space<vmem_shared>>)
    %dma_wait3A_207 = arith.constant 1 : i32
    %dma_wait3A_208 = arith.constant 121 : i32
    %dma_wait3A_209 = arith.constant 0 : i32
    %dma_wait3A_210 = arith.constant 0 : i32
    %dma_wait3A_211 = tpu.memref_slice %arg7[%dma_wait3A_207, %dma_wait3A_209, %dma_wait3A_210] : memref<5x80x32xf32, #tpu.memory_space<vmem>> -> memref<1x80x32xf32, #tpu.memory_space<vmem>>
    %dma_wait3A_212 = tpu.memref_squeeze %dma_wait3A_211 : memref<1x80x32xf32, #tpu.memory_space<vmem>> -> memref<80x32xf32, #tpu.memory_space<vmem>>
    %dma_wait3A_213 = arith.constant 0 : i32
    %dma_wait3A_214 = tpu.memref_slice %arg6[%dma_wait3A_208, %dma_wait3A_213] : memref<125x80xi32, #tpu.memory_space<vmem>> -> memref<1x80xi32, #tpu.memory_space<vmem>>
    %dma_wait3A_215 = tpu.memref_squeeze %dma_wait3A_214 : memref<1x80xi32, #tpu.memory_space<vmem>> -> memref<80xi32, #tpu.memory_space<vmem>>
    %dma_wait3A_216 = arith.constant 0 : i32
    %dma_wait3A_217 = arith.constant 0 : i32
    %dma_wait3A_218 = tpu.memref_slice %arg9[%dma_wait3A_216, %dma_wait3A_217] : memref<10240x32xf32, #tpu.memory_space<vmem_shared>> -> memref<10240x32xf32, #tpu.memory_space<vmem_shared>>
    tpu.wait_indirect_dma semaphore(%arg16 : memref<!tpu.dma_semaphore, #tpu.memory_space<semaphore_mem>>) src(%dma_wait3A_212 : memref<80x32xf32, #tpu.memory_space<vmem>>) dst(%dma_wait3A_218 : memref<10240x32xf32, #tpu.memory_space<vmem_shared>>)
    %dma_wait3A_219 = arith.constant 2 : i32
    %dma_wait3A_220 = arith.constant 122 : i32
    %dma_wait3A_221 = arith.constant 0 : i32
    %dma_wait3A_222 = arith.constant 0 : i32
    %dma_wait3A_223 = tpu.memref_slice %arg7[%dma_wait3A_219, %dma_wait3A_221, %dma_wait3A_222] : memref<5x80x32xf32, #tpu.memory_space<vmem>> -> memref<1x80x32xf32, #tpu.memory_space<vmem>>
    %dma_wait3A_224 = tpu.memref_squeeze %dma_wait3A_223 : memref<1x80x32xf32, #tpu.memory_space<vmem>> -> memref<80x32xf32, #tpu.memory_space<vmem>>
    %dma_wait3A_225 = arith.constant 0 : i32
    %dma_wait3A_226 = tpu.memref_slice %arg6[%dma_wait3A_220, %dma_wait3A_225] : memref<125x80xi32, #tpu.memory_space<vmem>> -> memref<1x80xi32, #tpu.memory_space<vmem>>
    %dma_wait3A_227 = tpu.memref_squeeze %dma_wait3A_226 : memref<1x80xi32, #tpu.memory_space<vmem>> -> memref<80xi32, #tpu.memory_space<vmem>>
    %dma_wait3A_228 = arith.constant 0 : i32
    %dma_wait3A_229 = arith.constant 0 : i32
    %dma_wait3A_230 = tpu.memref_slice %arg9[%dma_wait3A_228, %dma_wait3A_229] : memref<10240x32xf32, #tpu.memory_space<vmem_shared>> -> memref<10240x32xf32, #tpu.memory_space<vmem_shared>>
    tpu.wait_indirect_dma semaphore(%arg17 : memref<!tpu.dma_semaphore, #tpu.memory_space<semaphore_mem>>) src(%dma_wait3A_224 : memref<80x32xf32, #tpu.memory_space<vmem>>) dst(%dma_wait3A_230 : memref<10240x32xf32, #tpu.memory_space<vmem_shared>>)
    %dma_wait3A_231 = arith.constant 3 : i32
    %dma_wait3A_232 = arith.constant 123 : i32
    %dma_wait3A_233 = arith.constant 0 : i32
    %dma_wait3A_234 = arith.constant 0 : i32
    %dma_wait3A_235 = tpu.memref_slice %arg7[%dma_wait3A_231, %dma_wait3A_233, %dma_wait3A_234] : memref<5x80x32xf32, #tpu.memory_space<vmem>> -> memref<1x80x32xf32, #tpu.memory_space<vmem>>
    %dma_wait3A_236 = tpu.memref_squeeze %dma_wait3A_235 : memref<1x80x32xf32, #tpu.memory_space<vmem>> -> memref<80x32xf32, #tpu.memory_space<vmem>>
    %dma_wait3A_237 = arith.constant 0 : i32
    %dma_wait3A_238 = tpu.memref_slice %arg6[%dma_wait3A_232, %dma_wait3A_237] : memref<125x80xi32, #tpu.memory_space<vmem>> -> memref<1x80xi32, #tpu.memory_space<vmem>>
    %dma_wait3A_239 = tpu.memref_squeeze %dma_wait3A_238 : memref<1x80xi32, #tpu.memory_space<vmem>> -> memref<80xi32, #tpu.memory_space<vmem>>
    %dma_wait3A_240 = arith.constant 0 : i32
    %dma_wait3A_241 = arith.constant 0 : i32
    %dma_wait3A_242 = tpu.memref_slice %arg9[%dma_wait3A_240, %dma_wait3A_241] : memref<10240x32xf32, #tpu.memory_space<vmem_shared>> -> memref<10240x32xf32, #tpu.memory_space<vmem_shared>>
    tpu.wait_indirect_dma semaphore(%arg18 : memref<!tpu.dma_semaphore, #tpu.memory_space<semaphore_mem>>) src(%dma_wait3A_236 : memref<80x32xf32, #tpu.memory_space<vmem>>) dst(%dma_wait3A_242 : memref<10240x32xf32, #tpu.memory_space<vmem_shared>>)
    %dma_wait3A_243 = arith.constant 4 : i32
    %dma_wait3A_244 = arith.constant 124 : i32
    %dma_wait3A_245 = arith.constant 0 : i32
    %dma_wait3A_246 = arith.constant 0 : i32
    %dma_wait3A_247 = tpu.memref_slice %arg7[%dma_wait3A_243, %dma_wait3A_245, %dma_wait3A_246] : memref<5x80x32xf32, #tpu.memory_space<vmem>> -> memref<1x80x32xf32, #tpu.memory_space<vmem>>
    %dma_wait3A_248 = tpu.memref_squeeze %dma_wait3A_247 : memref<1x80x32xf32, #tpu.memory_space<vmem>> -> memref<80x32xf32, #tpu.memory_space<vmem>>
    %dma_wait3A_249 = arith.constant 0 : i32
    %dma_wait3A_250 = tpu.memref_slice %arg6[%dma_wait3A_244, %dma_wait3A_249] : memref<125x80xi32, #tpu.memory_space<vmem>> -> memref<1x80xi32, #tpu.memory_space<vmem>>
    %dma_wait3A_251 = tpu.memref_squeeze %dma_wait3A_250 : memref<1x80xi32, #tpu.memory_space<vmem>> -> memref<80xi32, #tpu.memory_space<vmem>>
    %dma_wait3A_252 = arith.constant 0 : i32
    %dma_wait3A_253 = arith.constant 0 : i32
    %dma_wait3A_254 = tpu.memref_slice %arg9[%dma_wait3A_252, %dma_wait3A_253] : memref<10240x32xf32, #tpu.memory_space<vmem_shared>> -> memref<10240x32xf32, #tpu.memory_space<vmem_shared>>
    tpu.wait_indirect_dma semaphore(%arg19 : memref<!tpu.dma_semaphore, #tpu.memory_space<semaphore_mem>>) src(%dma_wait3A_248 : memref<80x32xf32, #tpu.memory_space<vmem>>) dst(%dma_wait3A_254 : memref<10240x32xf32, #tpu.memory_space<vmem_shared>>)
    %barrier3A_255 = arith.constant 0 : index
    tpu.barrier barrier_id(%barrier3A_255)
    %mul3A_256 = arith.constant 640 : i32
    %mul3A_257 = arith.muli %arg1, %mul3A_256 : i32
    "tpu.region"() ({
      %run_scoped3A_260 = tpu.sem_alloc : memref<!tpu.dma_semaphore, #tpu.memory_space<semaphore_mem>>
      %dma_start3A_261 = arith.constant 0 : i32
      %dma_start3A_262 = tpu.memref_slice %arg9[%mul3A_257, %dma_start3A_261] : memref<10240x32xf32, #tpu.memory_space<vmem_shared>> -> memref<640x32xf32, #tpu.memory_space<vmem_shared>>
      %dma_start3A_263 = arith.constant 0 : i32
      %dma_start3A_264 = tpu.memref_slice %arg9[%mul3A_257, %dma_start3A_263] : memref<10240x32xf32, #tpu.memory_space<vmem_shared>> -> memref<640x32xf32, #tpu.memory_space<vmem_shared>>
      tpu.enqueue_dma source(%dma_start3A_264 : memref<640x32xf32, #tpu.memory_space<vmem_shared>>) target(%arg8 : memref<640x32xf32, #tpu.memory_space<vmem>>) target_semaphore(%run_scoped3A_260 : memref<!tpu.dma_semaphore, #tpu.memory_space<semaphore_mem>>)
      %dma_wait3A_265 = arith.constant 0 : i32
      %dma_wait3A_266 = tpu.memref_slice %arg9[%mul3A_257, %dma_wait3A_265] : memref<10240x32xf32, #tpu.memory_space<vmem_shared>> -> memref<640x32xf32, #tpu.memory_space<vmem_shared>>
      %dma_wait3A_267 = arith.constant 0 : i32
      %dma_wait3A_268 = tpu.memref_slice %arg9[%mul3A_257, %dma_wait3A_267] : memref<10240x32xf32, #tpu.memory_space<vmem_shared>> -> memref<640x32xf32, #tpu.memory_space<vmem_shared>>
      tpu.wait_dma2 semaphore(%run_scoped3A_260 : memref<!tpu.dma_semaphore, #tpu.memory_space<semaphore_mem>>) src(%dma_wait3A_268 : memref<640x32xf32, #tpu.memory_space<vmem_shared>>) dst(%arg8 : memref<640x32xf32, #tpu.memory_space<vmem>>)
      tpu.yield
    }) : () -> ()
    %mul3A_258 = arith.constant 640 : i32
    %mul3A_259 = arith.muli %arg1, %mul3A_258 : i32
    "tpu.region"() ({
      %run_scoped3A_260 = tpu.sem_alloc : memref<!tpu.dma_semaphore, #tpu.memory_space<semaphore_mem>>
      %dma_start3A_261 = arith.constant 0 : i32
      %dma_start3A_262 = tpu.memref_slice %arg4[%arg0, %mul3A_259, %dma_start3A_261] : memref<2x10240x32xf32, #tpu.memory_space<hbm>> -> memref<1x640x32xf32, #tpu.memory_space<hbm>>
      %dma_start3A_263 = tpu.memref_squeeze %dma_start3A_262 : memref<1x640x32xf32, #tpu.memory_space<hbm>> -> memref<640x32xf32, #tpu.memory_space<hbm>>
      %dma_start3A_264 = arith.constant 0 : i32
      %dma_start3A_265 = tpu.memref_slice %arg4[%arg0, %mul3A_259, %dma_start3A_264] : memref<2x10240x32xf32, #tpu.memory_space<hbm>> -> memref<1x640x32xf32, #tpu.memory_space<hbm>>
      %dma_start3A_266 = tpu.memref_squeeze %dma_start3A_265 : memref<1x640x32xf32, #tpu.memory_space<hbm>> -> memref<640x32xf32, #tpu.memory_space<hbm>>
      tpu.enqueue_dma source(%arg8 : memref<640x32xf32, #tpu.memory_space<vmem>>) target(%dma_start3A_266 : memref<640x32xf32, #tpu.memory_space<hbm>>) target_semaphore(%run_scoped3A_260 : memref<!tpu.dma_semaphore, #tpu.memory_space<semaphore_mem>>)
      %dma_wait3A_267 = arith.constant 0 : i32
      %dma_wait3A_268 = tpu.memref_slice %arg4[%arg0, %mul3A_259, %dma_wait3A_267] : memref<2x10240x32xf32, #tpu.memory_space<hbm>> -> memref<1x640x32xf32, #tpu.memory_space<hbm>>
      %dma_wait3A_269 = tpu.memref_squeeze %dma_wait3A_268 : memref<1x640x32xf32, #tpu.memory_space<hbm>> -> memref<640x32xf32, #tpu.memory_space<hbm>>
      %dma_wait3A_270 = arith.constant 0 : i32
      %dma_wait3A_271 = tpu.memref_slice %arg4[%arg0, %mul3A_259, %dma_wait3A_270] : memref<2x10240x32xf32, #tpu.memory_space<hbm>> -> memref<1x640x32xf32, #tpu.memory_space<hbm>>
      %dma_wait3A_272 = tpu.memref_squeeze %dma_wait3A_271 : memref<1x640x32xf32, #tpu.memory_space<hbm>> -> memref<640x32xf32, #tpu.memory_space<hbm>>
      tpu.wait_dma2 semaphore(%run_scoped3A_260 : memref<!tpu.dma_semaphore, #tpu.memory_space<semaphore_mem>>) src(%arg8 : memref<640x32xf32, #tpu.memory_space<vmem>>) dst(%dma_wait3A_272 : memref<640x32xf32, #tpu.memory_space<hbm>>)
      tpu.yield
    }) : () -> ()
    return
  }
}

#map = affine_map<(d0, d1) -> (0, 0, 0, 0)>
#map1 = affine_map<(d0, d1) -> (0, 0)>
module attributes {stable_mosaic.version = 14 : i64} {
  func.func @_deg_body(%arg0: i32, %arg1: i32, %arg2: memref<2x32x125x80xi32, #tpu.memory_space<hbm>>, %arg3: memref<2x10240xf32, #tpu.memory_space<hbm>>, %arg4: memref<125x80xi32, #tpu.memory_space<vmem>>, %arg5: memref<80xf32, #tpu.memory_space<vmem>>, %arg6: memref<640xf32, #tpu.memory_space<vmem>>, %arg7: memref<10240xf32, #tpu.memory_space<vmem_shared>>, %arg8: memref<!tpu.dma_semaphore, #tpu.memory_space<semaphore_mem>>, %arg9: memref<!tpu.dma_semaphore, #tpu.memory_space<semaphore_mem>>, %arg10: memref<!tpu.dma_semaphore, #tpu.memory_space<semaphore_mem>>, %arg11: memref<!tpu.dma_semaphore, #tpu.memory_space<semaphore_mem>>, %arg12: memref<!tpu.dma_semaphore, #tpu.memory_space<semaphore_mem>>) attributes {dimension_semantics = [#tpu.dimension_semantics<core_parallel>, #tpu.dimension_semantics<subcore_parallel>], iteration_bounds = array<i64: 2, 16>, scalar_prefetch = 0 : i64, scratch_operands = 9 : i64, tpu.core_type = #tpu.core_type<sc_vector_subcore>, window_params = [{transform_indices = #map}, {transform_indices = #map1}]} {
    %mul3A = arith.constant 2 : i32
    %mul3A_0 = arith.muli %arg1, %mul3A : i32
    %add3A = arith.addi %mul3A_0, %arg0 : i32
    %scan3A = arith.constant 0 : i32
    %scan3A_1 = arith.constant 0 : i32
    %scan3A_2 = arith.constant 40 : i32
    %scan3A_3 = arith.addi %scan3A_1, %scan3A_2 : i32
    %scan3A_4 = arith.constant 1 : i32
    %scan3A_5 = scf.for %scan3A_107 = %scan3A_1 to %scan3A_3 step %scan3A_4 iter_args(%scan3A_108 = %scan3A) -> (i32)  : i32 {
      %broadcast_in_dim3A_109 = arith.constant 0.000000e+00 : f32
      %broadcast_in_dim3A_110 = vector.broadcast %broadcast_in_dim3A_109 : f32 to vector<16xf32>
      %mul3A_111 = arith.constant 16 : i32
      %mul3A_112 = arith.muli %scan3A_107, %mul3A_111 : i32
      %swap3A_113 = arith.index_cast %mul3A_112 : i32 to index
      %swap3A_114 = tpu.vector_load %arg6[%swap3A_113] {strides = array<i32>} : memref<640xf32, #tpu.memory_space<vmem>>, vector<16xf32>,
      %swap3A_115 = vector.shape_cast %swap3A_114 : vector<16xf32> to vector<16xf32>
      %swap3A_116 = vector.shape_cast %broadcast_in_dim3A_110 : vector<16xf32> to vector<16xf32>
      tpu.vector_store %arg6[%swap3A_113], %swap3A_116 {strides = array<i32>} : memref<640xf32, #tpu.memory_space<vmem>>, vector<16xf32>,
      %scan3A_117 = arith.constant 0 : i32
      scf.yield %scan3A_117 : i32
    }
    %scan3A_6 = arith.constant 40 : i32
    %mul3A_7 = arith.constant 640 : i32
    %mul3A_8 = arith.muli %arg1, %mul3A_7 : i32
    "tpu.region"() ({
      %run_scoped3A_107 = tpu.sem_alloc : memref<!tpu.dma_semaphore, #tpu.memory_space<semaphore_mem>>
      %dma_start3A_108 = tpu.memref_slice %arg7[%mul3A_8] : memref<10240xf32, #tpu.memory_space<vmem_shared>> -> memref<640xf32, #tpu.memory_space<vmem_shared>>
      %dma_start3A_109 = tpu.memref_slice %arg7[%mul3A_8] : memref<10240xf32, #tpu.memory_space<vmem_shared>> -> memref<640xf32, #tpu.memory_space<vmem_shared>>
      tpu.enqueue_dma source(%arg6 : memref<640xf32, #tpu.memory_space<vmem>>) target(%dma_start3A_109 : memref<640xf32, #tpu.memory_space<vmem_shared>>) target_semaphore(%run_scoped3A_107 : memref<!tpu.dma_semaphore, #tpu.memory_space<semaphore_mem>>)
      %dma_wait3A_110 = tpu.memref_slice %arg7[%mul3A_8] : memref<10240xf32, #tpu.memory_space<vmem_shared>> -> memref<640xf32, #tpu.memory_space<vmem_shared>>
      %dma_wait3A_111 = tpu.memref_slice %arg7[%mul3A_8] : memref<10240xf32, #tpu.memory_space<vmem_shared>> -> memref<640xf32, #tpu.memory_space<vmem_shared>>
      tpu.wait_dma2 semaphore(%run_scoped3A_107 : memref<!tpu.dma_semaphore, #tpu.memory_space<semaphore_mem>>) src(%arg6 : memref<640xf32, #tpu.memory_space<vmem>>) dst(%dma_wait3A_111 : memref<640xf32, #tpu.memory_space<vmem_shared>>)
      tpu.yield
    }) : () -> ()
    %broadcast_in_dim3A = arith.constant 1.000000e+00 : f32
    %broadcast_in_dim3A_9 = vector.broadcast %broadcast_in_dim3A : f32 to vector<16xf32>
    %swap3A = arith.constant 0 : index
    %swap3A_10 = tpu.vector_load %arg5[%swap3A] {strides = array<i32>} : memref<80xf32, #tpu.memory_space<vmem>>, vector<16xf32>,
    %swap3A_11 = vector.shape_cast %swap3A_10 : vector<16xf32> to vector<16xf32>
    %swap3A_12 = vector.shape_cast %broadcast_in_dim3A_9 : vector<16xf32> to vector<16xf32>
    tpu.vector_store %arg5[%swap3A], %swap3A_12 {strides = array<i32>} : memref<80xf32, #tpu.memory_space<vmem>>, vector<16xf32>,
    %broadcast_in_dim3A_13 = arith.constant 1.000000e+00 : f32
    %broadcast_in_dim3A_14 = vector.broadcast %broadcast_in_dim3A_13 : f32 to vector<16xf32>
    %swap3A_15 = arith.constant 16 : index
    %swap3A_16 = tpu.vector_load %arg5[%swap3A_15] {strides = array<i32>} : memref<80xf32, #tpu.memory_space<vmem>>, vector<16xf32>,
    %swap3A_17 = vector.shape_cast %swap3A_16 : vector<16xf32> to vector<16xf32>
    %swap3A_18 = vector.shape_cast %broadcast_in_dim3A_14 : vector<16xf32> to vector<16xf32>
    tpu.vector_store %arg5[%swap3A_15], %swap3A_18 {strides = array<i32>} : memref<80xf32, #tpu.memory_space<vmem>>, vector<16xf32>,
    %broadcast_in_dim3A_19 = arith.constant 1.000000e+00 : f32
    %broadcast_in_dim3A_20 = vector.broadcast %broadcast_in_dim3A_19 : f32 to vector<16xf32>
    %swap3A_21 = arith.constant 32 : index
    %swap3A_22 = tpu.vector_load %arg5[%swap3A_21] {strides = array<i32>} : memref<80xf32, #tpu.memory_space<vmem>>, vector<16xf32>,
    %swap3A_23 = vector.shape_cast %swap3A_22 : vector<16xf32> to vector<16xf32>
    %swap3A_24 = vector.shape_cast %broadcast_in_dim3A_20 : vector<16xf32> to vector<16xf32>
    tpu.vector_store %arg5[%swap3A_21], %swap3A_24 {strides = array<i32>} : memref<80xf32, #tpu.memory_space<vmem>>, vector<16xf32>,
    %broadcast_in_dim3A_25 = arith.constant 1.000000e+00 : f32
    %broadcast_in_dim3A_26 = vector.broadcast %broadcast_in_dim3A_25 : f32 to vector<16xf32>
    %swap3A_27 = arith.constant 48 : index
    %swap3A_28 = tpu.vector_load %arg5[%swap3A_27] {strides = array<i32>} : memref<80xf32, #tpu.memory_space<vmem>>, vector<16xf32>,
    %swap3A_29 = vector.shape_cast %swap3A_28 : vector<16xf32> to vector<16xf32>
    %swap3A_30 = vector.shape_cast %broadcast_in_dim3A_26 : vector<16xf32> to vector<16xf32>
    tpu.vector_store %arg5[%swap3A_27], %swap3A_30 {strides = array<i32>} : memref<80xf32, #tpu.memory_space<vmem>>, vector<16xf32>,
    %broadcast_in_dim3A_31 = arith.constant 1.000000e+00 : f32
    %broadcast_in_dim3A_32 = vector.broadcast %broadcast_in_dim3A_31 : f32 to vector<16xf32>
    %swap3A_33 = arith.constant 64 : index
    %swap3A_34 = tpu.vector_load %arg5[%swap3A_33] {strides = array<i32>} : memref<80xf32, #tpu.memory_space<vmem>>, vector<16xf32>,
    %swap3A_35 = vector.shape_cast %swap3A_34 : vector<16xf32> to vector<16xf32>
    %swap3A_36 = vector.shape_cast %broadcast_in_dim3A_32 : vector<16xf32> to vector<16xf32>
    tpu.vector_store %arg5[%swap3A_33], %swap3A_36 {strides = array<i32>} : memref<80xf32, #tpu.memory_space<vmem>>, vector<16xf32>,
    %run_scoped3A = arith.constant 1 : i32
    "tpu.region"() ({
      %run_scoped3A_107 = tpu.sem_alloc : memref<!tpu.dma_semaphore, #tpu.memory_space<semaphore_mem>>
      %dma_start3A_108 = arith.constant 0 : i32
      %dma_start3A_109 = arith.constant 0 : i32
      %dma_start3A_110 = tpu.memref_slice %arg2[%run_scoped3A, %add3A, %dma_start3A_108, %dma_start3A_109] : memref<2x32x125x80xi32, #tpu.memory_space<hbm>> -> memref<1x1x125x80xi32, #tpu.memory_space<hbm>>
      %dma_start3A_111 = tpu.memref_squeeze %dma_start3A_110 : memref<1x1x125x80xi32, #tpu.memory_space<hbm>> -> memref<125x80xi32, #tpu.memory_space<hbm>>
      %dma_start3A_112 = arith.constant 0 : i32
      %dma_start3A_113 = arith.constant 0 : i32
      %dma_start3A_114 = tpu.memref_slice %arg2[%run_scoped3A, %add3A, %dma_start3A_112, %dma_start3A_113] : memref<2x32x125x80xi32, #tpu.memory_space<hbm>> -> memref<1x1x125x80xi32, #tpu.memory_space<hbm>>
      %dma_start3A_115 = tpu.memref_squeeze %dma_start3A_114 : memref<1x1x125x80xi32, #tpu.memory_space<hbm>> -> memref<125x80xi32, #tpu.memory_space<hbm>>
      tpu.enqueue_dma source(%dma_start3A_115 : memref<125x80xi32, #tpu.memory_space<hbm>>) target(%arg4 : memref<125x80xi32, #tpu.memory_space<vmem>>) target_semaphore(%run_scoped3A_107 : memref<!tpu.dma_semaphore, #tpu.memory_space<semaphore_mem>>)
      %dma_wait3A_116 = arith.constant 0 : i32
      %dma_wait3A_117 = arith.constant 0 : i32
      %dma_wait3A_118 = tpu.memref_slice %arg2[%run_scoped3A, %add3A, %dma_wait3A_116, %dma_wait3A_117] : memref<2x32x125x80xi32, #tpu.memory_space<hbm>> -> memref<1x1x125x80xi32, #tpu.memory_space<hbm>>
      %dma_wait3A_119 = tpu.memref_squeeze %dma_wait3A_118 : memref<1x1x125x80xi32, #tpu.memory_space<hbm>> -> memref<125x80xi32, #tpu.memory_space<hbm>>
      %dma_wait3A_120 = arith.constant 0 : i32
      %dma_wait3A_121 = arith.constant 0 : i32
      %dma_wait3A_122 = tpu.memref_slice %arg2[%run_scoped3A, %add3A, %dma_wait3A_120, %dma_wait3A_121] : memref<2x32x125x80xi32, #tpu.memory_space<hbm>> -> memref<1x1x125x80xi32, #tpu.memory_space<hbm>>
      %dma_wait3A_123 = tpu.memref_squeeze %dma_wait3A_122 : memref<1x1x125x80xi32, #tpu.memory_space<hbm>> -> memref<125x80xi32, #tpu.memory_space<hbm>>
      tpu.wait_dma2 semaphore(%run_scoped3A_107 : memref<!tpu.dma_semaphore, #tpu.memory_space<semaphore_mem>>) src(%dma_wait3A_123 : memref<125x80xi32, #tpu.memory_space<hbm>>) dst(%arg4 : memref<125x80xi32, #tpu.memory_space<vmem>>)
      tpu.yield
    }) : () -> ()
    %barrier3A = arith.constant 0 : index
    tpu.barrier barrier_id(%barrier3A)
    %dma_start3A = arith.constant 0 : i32
    %dma_start3A_37 = arith.constant 0 : i32
    %dma_start3A_38 = tpu.memref_slice %arg4[%dma_start3A, %dma_start3A_37] : memref<125x80xi32, #tpu.memory_space<vmem>> -> memref<1x80xi32, #tpu.memory_space<vmem>>
    %dma_start3A_39 = tpu.memref_squeeze %dma_start3A_38 : memref<1x80xi32, #tpu.memory_space<vmem>> -> memref<80xi32, #tpu.memory_space<vmem>>
    %dma_start3A_40 = arith.constant 0 : i32
    %dma_start3A_41 = tpu.memref_slice %arg7[%dma_start3A_40] : memref<10240xf32, #tpu.memory_space<vmem_shared>> -> memref<10240xf32, #tpu.memory_space<vmem_shared>>
    tpu.enqueue_indirect_dma source(%arg5 : memref<80xf32, #tpu.memory_space<vmem>>) target(%dma_start3A_41 : memref<10240xf32, #tpu.memory_space<vmem_shared>>) offsets(%dma_start3A_39 : memref<80xi32, #tpu.memory_space<vmem>>) semaphore(%arg8 : memref<!tpu.dma_semaphore, #tpu.memory_space<semaphore_mem>>) {add = true}
    %dma_start3A_42 = arith.constant 1 : i32
    %dma_start3A_43 = arith.constant 0 : i32
    %dma_start3A_44 = tpu.memref_slice %arg4[%dma_start3A_42, %dma_start3A_43] : memref<125x80xi32, #tpu.memory_space<vmem>> -> memref<1x80xi32, #tpu.memory_space<vmem>>
    %dma_start3A_45 = tpu.memref_squeeze %dma_start3A_44 : memref<1x80xi32, #tpu.memory_space<vmem>> -> memref<80xi32, #tpu.memory_space<vmem>>
    %dma_start3A_46 = arith.constant 0 : i32
    %dma_start3A_47 = tpu.memref_slice %arg7[%dma_start3A_46] : memref<10240xf32, #tpu.memory_space<vmem_shared>> -> memref<10240xf32, #tpu.memory_space<vmem_shared>>
    tpu.enqueue_indirect_dma source(%arg5 : memref<80xf32, #tpu.memory_space<vmem>>) target(%dma_start3A_47 : memref<10240xf32, #tpu.memory_space<vmem_shared>>) offsets(%dma_start3A_45 : memref<80xi32, #tpu.memory_space<vmem>>) semaphore(%arg9 : memref<!tpu.dma_semaphore, #tpu.memory_space<semaphore_mem>>) {add = true}
    %dma_start3A_48 = arith.constant 2 : i32
    %dma_start3A_49 = arith.constant 0 : i32
    %dma_start3A_50 = tpu.memref_slice %arg4[%dma_start3A_48, %dma_start3A_49] : memref<125x80xi32, #tpu.memory_space<vmem>> -> memref<1x80xi32, #tpu.memory_space<vmem>>
    %dma_start3A_51 = tpu.memref_squeeze %dma_start3A_50 : memref<1x80xi32, #tpu.memory_space<vmem>> -> memref<80xi32, #tpu.memory_space<vmem>>
    %dma_start3A_52 = arith.constant 0 : i32
    %dma_start3A_53 = tpu.memref_slice %arg7[%dma_start3A_52] : memref<10240xf32, #tpu.memory_space<vmem_shared>> -> memref<10240xf32, #tpu.memory_space<vmem_shared>>
    tpu.enqueue_indirect_dma source(%arg5 : memref<80xf32, #tpu.memory_space<vmem>>) target(%dma_start3A_53 : memref<10240xf32, #tpu.memory_space<vmem_shared>>) offsets(%dma_start3A_51 : memref<80xi32, #tpu.memory_space<vmem>>) semaphore(%arg10 : memref<!tpu.dma_semaphore, #tpu.memory_space<semaphore_mem>>) {add = true}
    %dma_start3A_54 = arith.constant 3 : i32
    %dma_start3A_55 = arith.constant 0 : i32
    %dma_start3A_56 = tpu.memref_slice %arg4[%dma_start3A_54, %dma_start3A_55] : memref<125x80xi32, #tpu.memory_space<vmem>> -> memref<1x80xi32, #tpu.memory_space<vmem>>
    %dma_start3A_57 = tpu.memref_squeeze %dma_start3A_56 : memref<1x80xi32, #tpu.memory_space<vmem>> -> memref<80xi32, #tpu.memory_space<vmem>>
    %dma_start3A_58 = arith.constant 0 : i32
    %dma_start3A_59 = tpu.memref_slice %arg7[%dma_start3A_58] : memref<10240xf32, #tpu.memory_space<vmem_shared>> -> memref<10240xf32, #tpu.memory_space<vmem_shared>>
    tpu.enqueue_indirect_dma source(%arg5 : memref<80xf32, #tpu.memory_space<vmem>>) target(%dma_start3A_59 : memref<10240xf32, #tpu.memory_space<vmem_shared>>) offsets(%dma_start3A_57 : memref<80xi32, #tpu.memory_space<vmem>>) semaphore(%arg11 : memref<!tpu.dma_semaphore, #tpu.memory_space<semaphore_mem>>) {add = true}
    %dma_start3A_60 = arith.constant 4 : i32
    %dma_start3A_61 = arith.constant 0 : i32
    %dma_start3A_62 = tpu.memref_slice %arg4[%dma_start3A_60, %dma_start3A_61] : memref<125x80xi32, #tpu.memory_space<vmem>> -> memref<1x80xi32, #tpu.memory_space<vmem>>
    %dma_start3A_63 = tpu.memref_squeeze %dma_start3A_62 : memref<1x80xi32, #tpu.memory_space<vmem>> -> memref<80xi32, #tpu.memory_space<vmem>>
    %dma_start3A_64 = arith.constant 0 : i32
    %dma_start3A_65 = tpu.memref_slice %arg7[%dma_start3A_64] : memref<10240xf32, #tpu.memory_space<vmem_shared>> -> memref<10240xf32, #tpu.memory_space<vmem_shared>>
    tpu.enqueue_indirect_dma source(%arg5 : memref<80xf32, #tpu.memory_space<vmem>>) target(%dma_start3A_65 : memref<10240xf32, #tpu.memory_space<vmem_shared>>) offsets(%dma_start3A_63 : memref<80xi32, #tpu.memory_space<vmem>>) semaphore(%arg12 : memref<!tpu.dma_semaphore, #tpu.memory_space<semaphore_mem>>) {add = true}
    %scan3A_66 = arith.constant 0 : i32
    %scan3A_67 = arith.constant 0 : i32
    %scan3A_68 = arith.constant 24 : i32
    %scan3A_69 = arith.addi %scan3A_67, %scan3A_68 : i32
    %scan3A_70 = arith.constant 1 : i32
    %scan3A_71 = scf.for %scan3A_107 = %scan3A_67 to %scan3A_69 step %scan3A_70 iter_args(%scan3A_108 = %scan3A_66) -> (i32)  : i32 {
      %add3A_109 = arith.constant 1 : i32
      %add3A_110 = arith.addi %scan3A_107, %add3A_109 : i32
      %mul3A_111 = arith.constant 5 : i32
      %mul3A_112 = arith.muli %add3A_110, %mul3A_111 : i32
      %add3A_113 = arith.constant 0 : i32
      %add3A_114 = arith.addi %mul3A_112, %add3A_113 : i32
      %dma_start3A_115 = arith.constant 0 : i32
      %dma_start3A_116 = tpu.memref_slice %arg4[%add3A_114, %dma_start3A_115] : memref<125x80xi32, #tpu.memory_space<vmem>> -> memref<1x80xi32, #tpu.memory_space<vmem>>
      %dma_start3A_117 = tpu.memref_squeeze %dma_start3A_116 : memref<1x80xi32, #tpu.memory_space<vmem>> -> memref<80xi32, #tpu.memory_space<vmem>>
      %dma_start3A_118 = arith.constant 0 : i32
      %dma_start3A_119 = tpu.memref_slice %arg7[%dma_start3A_118] : memref<10240xf32, #tpu.memory_space<vmem_shared>> -> memref<10240xf32, #tpu.memory_space<vmem_shared>>
      tpu.enqueue_indirect_dma source(%arg5 : memref<80xf32, #tpu.memory_space<vmem>>) target(%dma_start3A_119 : memref<10240xf32, #tpu.memory_space<vmem_shared>>) offsets(%dma_start3A_117 : memref<80xi32, #tpu.memory_space<vmem>>) semaphore(%arg8 : memref<!tpu.dma_semaphore, #tpu.memory_space<semaphore_mem>>) {add = true}
      %dma_wait3A_120 = arith.constant 0 : i32
      %dma_wait3A_121 = tpu.memref_slice %arg4[%add3A_114, %dma_wait3A_120] : memref<125x80xi32, #tpu.memory_space<vmem>> -> memref<1x80xi32, #tpu.memory_space<vmem>>
      %dma_wait3A_122 = tpu.memref_squeeze %dma_wait3A_121 : memref<1x80xi32, #tpu.memory_space<vmem>> -> memref<80xi32, #tpu.memory_space<vmem>>
      %dma_wait3A_123 = arith.constant 0 : i32
      %dma_wait3A_124 = tpu.memref_slice %arg7[%dma_wait3A_123] : memref<10240xf32, #tpu.memory_space<vmem_shared>> -> memref<10240xf32, #tpu.memory_space<vmem_shared>>
      tpu.wait_indirect_dma semaphore(%arg8 : memref<!tpu.dma_semaphore, #tpu.memory_space<semaphore_mem>>) src(%arg5 : memref<80xf32, #tpu.memory_space<vmem>>) dst(%dma_wait3A_124 : memref<10240xf32, #tpu.memory_space<vmem_shared>>)
      %add3A_125 = arith.constant 1 : i32
      %add3A_126 = arith.addi %scan3A_107, %add3A_125 : i32
      %mul3A_127 = arith.constant 5 : i32
      %mul3A_128 = arith.muli %add3A_126, %mul3A_127 : i32
      %add3A_129 = arith.constant 1 : i32
      %add3A_130 = arith.addi %mul3A_128, %add3A_129 : i32
      %dma_start3A_131 = arith.constant 0 : i32
      %dma_start3A_132 = tpu.memref_slice %arg4[%add3A_130, %dma_start3A_131] : memref<125x80xi32, #tpu.memory_space<vmem>> -> memref<1x80xi32, #tpu.memory_space<vmem>>
      %dma_start3A_133 = tpu.memref_squeeze %dma_start3A_132 : memref<1x80xi32, #tpu.memory_space<vmem>> -> memref<80xi32, #tpu.memory_space<vmem>>
      %dma_start3A_134 = arith.constant 0 : i32
      %dma_start3A_135 = tpu.memref_slice %arg7[%dma_start3A_134] : memref<10240xf32, #tpu.memory_space<vmem_shared>> -> memref<10240xf32, #tpu.memory_space<vmem_shared>>
      tpu.enqueue_indirect_dma source(%arg5 : memref<80xf32, #tpu.memory_space<vmem>>) target(%dma_start3A_135 : memref<10240xf32, #tpu.memory_space<vmem_shared>>) offsets(%dma_start3A_133 : memref<80xi32, #tpu.memory_space<vmem>>) semaphore(%arg9 : memref<!tpu.dma_semaphore, #tpu.memory_space<semaphore_mem>>) {add = true}
      %dma_wait3A_136 = arith.constant 0 : i32
      %dma_wait3A_137 = tpu.memref_slice %arg4[%add3A_130, %dma_wait3A_136] : memref<125x80xi32, #tpu.memory_space<vmem>> -> memref<1x80xi32, #tpu.memory_space<vmem>>
      %dma_wait3A_138 = tpu.memref_squeeze %dma_wait3A_137 : memref<1x80xi32, #tpu.memory_space<vmem>> -> memref<80xi32, #tpu.memory_space<vmem>>
      %dma_wait3A_139 = arith.constant 0 : i32
      %dma_wait3A_140 = tpu.memref_slice %arg7[%dma_wait3A_139] : memref<10240xf32, #tpu.memory_space<vmem_shared>> -> memref<10240xf32, #tpu.memory_space<vmem_shared>>
      tpu.wait_indirect_dma semaphore(%arg9 : memref<!tpu.dma_semaphore, #tpu.memory_space<semaphore_mem>>) src(%arg5 : memref<80xf32, #tpu.memory_space<vmem>>) dst(%dma_wait3A_140 : memref<10240xf32, #tpu.memory_space<vmem_shared>>)
      %add3A_141 = arith.constant 1 : i32
      %add3A_142 = arith.addi %scan3A_107, %add3A_141 : i32
      %mul3A_143 = arith.constant 5 : i32
      %mul3A_144 = arith.muli %add3A_142, %mul3A_143 : i32
      %add3A_145 = arith.constant 2 : i32
      %add3A_146 = arith.addi %mul3A_144, %add3A_145 : i32
      %dma_start3A_147 = arith.constant 0 : i32
      %dma_start3A_148 = tpu.memref_slice %arg4[%add3A_146, %dma_start3A_147] : memref<125x80xi32, #tpu.memory_space<vmem>> -> memref<1x80xi32, #tpu.memory_space<vmem>>
      %dma_start3A_149 = tpu.memref_squeeze %dma_start3A_148 : memref<1x80xi32, #tpu.memory_space<vmem>> -> memref<80xi32, #tpu.memory_space<vmem>>
      %dma_start3A_150 = arith.constant 0 : i32
      %dma_start3A_151 = tpu.memref_slice %arg7[%dma_start3A_150] : memref<10240xf32, #tpu.memory_space<vmem_shared>> -> memref<10240xf32, #tpu.memory_space<vmem_shared>>
      tpu.enqueue_indirect_dma source(%arg5 : memref<80xf32, #tpu.memory_space<vmem>>) target(%dma_start3A_151 : memref<10240xf32, #tpu.memory_space<vmem_shared>>) offsets(%dma_start3A_149 : memref<80xi32, #tpu.memory_space<vmem>>) semaphore(%arg10 : memref<!tpu.dma_semaphore, #tpu.memory_space<semaphore_mem>>) {add = true}
      %dma_wait3A_152 = arith.constant 0 : i32
      %dma_wait3A_153 = tpu.memref_slice %arg4[%add3A_146, %dma_wait3A_152] : memref<125x80xi32, #tpu.memory_space<vmem>> -> memref<1x80xi32, #tpu.memory_space<vmem>>
      %dma_wait3A_154 = tpu.memref_squeeze %dma_wait3A_153 : memref<1x80xi32, #tpu.memory_space<vmem>> -> memref<80xi32, #tpu.memory_space<vmem>>
      %dma_wait3A_155 = arith.constant 0 : i32
      %dma_wait3A_156 = tpu.memref_slice %arg7[%dma_wait3A_155] : memref<10240xf32, #tpu.memory_space<vmem_shared>> -> memref<10240xf32, #tpu.memory_space<vmem_shared>>
      tpu.wait_indirect_dma semaphore(%arg10 : memref<!tpu.dma_semaphore, #tpu.memory_space<semaphore_mem>>) src(%arg5 : memref<80xf32, #tpu.memory_space<vmem>>) dst(%dma_wait3A_156 : memref<10240xf32, #tpu.memory_space<vmem_shared>>)
      %add3A_157 = arith.constant 1 : i32
      %add3A_158 = arith.addi %scan3A_107, %add3A_157 : i32
      %mul3A_159 = arith.constant 5 : i32
      %mul3A_160 = arith.muli %add3A_158, %mul3A_159 : i32
      %add3A_161 = arith.constant 3 : i32
      %add3A_162 = arith.addi %mul3A_160, %add3A_161 : i32
      %dma_start3A_163 = arith.constant 0 : i32
      %dma_start3A_164 = tpu.memref_slice %arg4[%add3A_162, %dma_start3A_163] : memref<125x80xi32, #tpu.memory_space<vmem>> -> memref<1x80xi32, #tpu.memory_space<vmem>>
      %dma_start3A_165 = tpu.memref_squeeze %dma_start3A_164 : memref<1x80xi32, #tpu.memory_space<vmem>> -> memref<80xi32, #tpu.memory_space<vmem>>
      %dma_start3A_166 = arith.constant 0 : i32
      %dma_start3A_167 = tpu.memref_slice %arg7[%dma_start3A_166] : memref<10240xf32, #tpu.memory_space<vmem_shared>> -> memref<10240xf32, #tpu.memory_space<vmem_shared>>
      tpu.enqueue_indirect_dma source(%arg5 : memref<80xf32, #tpu.memory_space<vmem>>) target(%dma_start3A_167 : memref<10240xf32, #tpu.memory_space<vmem_shared>>) offsets(%dma_start3A_165 : memref<80xi32, #tpu.memory_space<vmem>>) semaphore(%arg11 : memref<!tpu.dma_semaphore, #tpu.memory_space<semaphore_mem>>) {add = true}
      %dma_wait3A_168 = arith.constant 0 : i32
      %dma_wait3A_169 = tpu.memref_slice %arg4[%add3A_162, %dma_wait3A_168] : memref<125x80xi32, #tpu.memory_space<vmem>> -> memref<1x80xi32, #tpu.memory_space<vmem>>
      %dma_wait3A_170 = tpu.memref_squeeze %dma_wait3A_169 : memref<1x80xi32, #tpu.memory_space<vmem>> -> memref<80xi32, #tpu.memory_space<vmem>>
      %dma_wait3A_171 = arith.constant 0 : i32
      %dma_wait3A_172 = tpu.memref_slice %arg7[%dma_wait3A_171] : memref<10240xf32, #tpu.memory_space<vmem_shared>> -> memref<10240xf32, #tpu.memory_space<vmem_shared>>
      tpu.wait_indirect_dma semaphore(%arg11 : memref<!tpu.dma_semaphore, #tpu.memory_space<semaphore_mem>>) src(%arg5 : memref<80xf32, #tpu.memory_space<vmem>>) dst(%dma_wait3A_172 : memref<10240xf32, #tpu.memory_space<vmem_shared>>)
      %add3A_173 = arith.constant 1 : i32
      %add3A_174 = arith.addi %scan3A_107, %add3A_173 : i32
      %mul3A_175 = arith.constant 5 : i32
      %mul3A_176 = arith.muli %add3A_174, %mul3A_175 : i32
      %add3A_177 = arith.constant 4 : i32
      %add3A_178 = arith.addi %mul3A_176, %add3A_177 : i32
      %dma_start3A_179 = arith.constant 0 : i32
      %dma_start3A_180 = tpu.memref_slice %arg4[%add3A_178, %dma_start3A_179] : memref<125x80xi32, #tpu.memory_space<vmem>> -> memref<1x80xi32, #tpu.memory_space<vmem>>
      %dma_start3A_181 = tpu.memref_squeeze %dma_start3A_180 : memref<1x80xi32, #tpu.memory_space<vmem>> -> memref<80xi32, #tpu.memory_space<vmem>>
      %dma_start3A_182 = arith.constant 0 : i32
      %dma_start3A_183 = tpu.memref_slice %arg7[%dma_start3A_182] : memref<10240xf32, #tpu.memory_space<vmem_shared>> -> memref<10240xf32, #tpu.memory_space<vmem_shared>>
      tpu.enqueue_indirect_dma source(%arg5 : memref<80xf32, #tpu.memory_space<vmem>>) target(%dma_start3A_183 : memref<10240xf32, #tpu.memory_space<vmem_shared>>) offsets(%dma_start3A_181 : memref<80xi32, #tpu.memory_space<vmem>>) semaphore(%arg12 : memref<!tpu.dma_semaphore, #tpu.memory_space<semaphore_mem>>) {add = true}
      %dma_wait3A_184 = arith.constant 0 : i32
      %dma_wait3A_185 = tpu.memref_slice %arg4[%add3A_178, %dma_wait3A_184] : memref<125x80xi32, #tpu.memory_space<vmem>> -> memref<1x80xi32, #tpu.memory_space<vmem>>
      %dma_wait3A_186 = tpu.memref_squeeze %dma_wait3A_185 : memref<1x80xi32, #tpu.memory_space<vmem>> -> memref<80xi32, #tpu.memory_space<vmem>>
      %dma_wait3A_187 = arith.constant 0 : i32
      %dma_wait3A_188 = tpu.memref_slice %arg7[%dma_wait3A_187] : memref<10240xf32, #tpu.memory_space<vmem_shared>> -> memref<10240xf32, #tpu.memory_space<vmem_shared>>
      tpu.wait_indirect_dma semaphore(%arg12 : memref<!tpu.dma_semaphore, #tpu.memory_space<semaphore_mem>>) src(%arg5 : memref<80xf32, #tpu.memory_space<vmem>>) dst(%dma_wait3A_188 : memref<10240xf32, #tpu.memory_space<vmem_shared>>)
      %scan3A_189 = arith.constant 0 : i32
      scf.yield %scan3A_189 : i32
    }
    %scan3A_72 = arith.constant 24 : i32
    %dma_wait3A = arith.constant 0 : i32
    %dma_wait3A_73 = arith.constant 0 : i32
    %dma_wait3A_74 = tpu.memref_slice %arg4[%dma_wait3A, %dma_wait3A_73] : memref<125x80xi32, #tpu.memory_space<vmem>> -> memref<1x80xi32, #tpu.memory_space<vmem>>
    %dma_wait3A_75 = tpu.memref_squeeze %dma_wait3A_74 : memref<1x80xi32, #tpu.memory_space<vmem>> -> memref<80xi32, #tpu.memory_space<vmem>>
    %dma_wait3A_76 = arith.constant 0 : i32
    %dma_wait3A_77 = tpu.memref_slice %arg7[%dma_wait3A_76] : memref<10240xf32, #tpu.memory_space<vmem_shared>> -> memref<10240xf32, #tpu.memory_space<vmem_shared>>
    tpu.wait_indirect_dma semaphore(%arg8 : memref<!tpu.dma_semaphore, #tpu.memory_space<semaphore_mem>>) src(%arg5 : memref<80xf32, #tpu.memory_space<vmem>>) dst(%dma_wait3A_77 : memref<10240xf32, #tpu.memory_space<vmem_shared>>)
    %dma_wait3A_78 = arith.constant 1 : i32
    %dma_wait3A_79 = arith.constant 0 : i32
    %dma_wait3A_80 = tpu.memref_slice %arg4[%dma_wait3A_78, %dma_wait3A_79] : memref<125x80xi32, #tpu.memory_space<vmem>> -> memref<1x80xi32, #tpu.memory_space<vmem>>
    %dma_wait3A_81 = tpu.memref_squeeze %dma_wait3A_80 : memref<1x80xi32, #tpu.memory_space<vmem>> -> memref<80xi32, #tpu.memory_space<vmem>>
    %dma_wait3A_82 = arith.constant 0 : i32
    %dma_wait3A_83 = tpu.memref_slice %arg7[%dma_wait3A_82] : memref<10240xf32, #tpu.memory_space<vmem_shared>> -> memref<10240xf32, #tpu.memory_space<vmem_shared>>
    tpu.wait_indirect_dma semaphore(%arg9 : memref<!tpu.dma_semaphore, #tpu.memory_space<semaphore_mem>>) src(%arg5 : memref<80xf32, #tpu.memory_space<vmem>>) dst(%dma_wait3A_83 : memref<10240xf32, #tpu.memory_space<vmem_shared>>)
    %dma_wait3A_84 = arith.constant 2 : i32
    %dma_wait3A_85 = arith.constant 0 : i32
    %dma_wait3A_86 = tpu.memref_slice %arg4[%dma_wait3A_84, %dma_wait3A_85] : memref<125x80xi32, #tpu.memory_space<vmem>> -> memref<1x80xi32, #tpu.memory_space<vmem>>
    %dma_wait3A_87 = tpu.memref_squeeze %dma_wait3A_86 : memref<1x80xi32, #tpu.memory_space<vmem>> -> memref<80xi32, #tpu.memory_space<vmem>>
    %dma_wait3A_88 = arith.constant 0 : i32
    %dma_wait3A_89 = tpu.memref_slice %arg7[%dma_wait3A_88] : memref<10240xf32, #tpu.memory_space<vmem_shared>> -> memref<10240xf32, #tpu.memory_space<vmem_shared>>
    tpu.wait_indirect_dma semaphore(%arg10 : memref<!tpu.dma_semaphore, #tpu.memory_space<semaphore_mem>>) src(%arg5 : memref<80xf32, #tpu.memory_space<vmem>>) dst(%dma_wait3A_89 : memref<10240xf32, #tpu.memory_space<vmem_shared>>)
    %dma_wait3A_90 = arith.constant 3 : i32
    %dma_wait3A_91 = arith.constant 0 : i32
    %dma_wait3A_92 = tpu.memref_slice %arg4[%dma_wait3A_90, %dma_wait3A_91] : memref<125x80xi32, #tpu.memory_space<vmem>> -> memref<1x80xi32, #tpu.memory_space<vmem>>
    %dma_wait3A_93 = tpu.memref_squeeze %dma_wait3A_92 : memref<1x80xi32, #tpu.memory_space<vmem>> -> memref<80xi32, #tpu.memory_space<vmem>>
    %dma_wait3A_94 = arith.constant 0 : i32
    %dma_wait3A_95 = tpu.memref_slice %arg7[%dma_wait3A_94] : memref<10240xf32, #tpu.memory_space<vmem_shared>> -> memref<10240xf32, #tpu.memory_space<vmem_shared>>
    tpu.wait_indirect_dma semaphore(%arg11 : memref<!tpu.dma_semaphore, #tpu.memory_space<semaphore_mem>>) src(%arg5 : memref<80xf32, #tpu.memory_space<vmem>>) dst(%dma_wait3A_95 : memref<10240xf32, #tpu.memory_space<vmem_shared>>)
    %dma_wait3A_96 = arith.constant 4 : i32
    %dma_wait3A_97 = arith.constant 0 : i32
    %dma_wait3A_98 = tpu.memref_slice %arg4[%dma_wait3A_96, %dma_wait3A_97] : memref<125x80xi32, #tpu.memory_space<vmem>> -> memref<1x80xi32, #tpu.memory_space<vmem>>
    %dma_wait3A_99 = tpu.memref_squeeze %dma_wait3A_98 : memref<1x80xi32, #tpu.memory_space<vmem>> -> memref<80xi32, #tpu.memory_space<vmem>>
    %dma_wait3A_100 = arith.constant 0 : i32
    %dma_wait3A_101 = tpu.memref_slice %arg7[%dma_wait3A_100] : memref<10240xf32, #tpu.memory_space<vmem_shared>> -> memref<10240xf32, #tpu.memory_space<vmem_shared>>
    tpu.wait_indirect_dma semaphore(%arg12 : memref<!tpu.dma_semaphore, #tpu.memory_space<semaphore_mem>>) src(%arg5 : memref<80xf32, #tpu.memory_space<vmem>>) dst(%dma_wait3A_101 : memref<10240xf32, #tpu.memory_space<vmem_shared>>)
    %barrier3A_102 = arith.constant 0 : index
    tpu.barrier barrier_id(%barrier3A_102)
    %mul3A_103 = arith.constant 640 : i32
    %mul3A_104 = arith.muli %arg1, %mul3A_103 : i32
    "tpu.region"() ({
      %run_scoped3A_107 = tpu.sem_alloc : memref<!tpu.dma_semaphore, #tpu.memory_space<semaphore_mem>>
      %dma_start3A_108 = tpu.memref_slice %arg7[%mul3A_104] : memref<10240xf32, #tpu.memory_space<vmem_shared>> -> memref<640xf32, #tpu.memory_space<vmem_shared>>
      %dma_start3A_109 = tpu.memref_slice %arg7[%mul3A_104] : memref<10240xf32, #tpu.memory_space<vmem_shared>> -> memref<640xf32, #tpu.memory_space<vmem_shared>>
      tpu.enqueue_dma source(%dma_start3A_109 : memref<640xf32, #tpu.memory_space<vmem_shared>>) target(%arg6 : memref<640xf32, #tpu.memory_space<vmem>>) target_semaphore(%run_scoped3A_107 : memref<!tpu.dma_semaphore, #tpu.memory_space<semaphore_mem>>)
      %dma_wait3A_110 = tpu.memref_slice %arg7[%mul3A_104] : memref<10240xf32, #tpu.memory_space<vmem_shared>> -> memref<640xf32, #tpu.memory_space<vmem_shared>>
      %dma_wait3A_111 = tpu.memref_slice %arg7[%mul3A_104] : memref<10240xf32, #tpu.memory_space<vmem_shared>> -> memref<640xf32, #tpu.memory_space<vmem_shared>>
      tpu.wait_dma2 semaphore(%run_scoped3A_107 : memref<!tpu.dma_semaphore, #tpu.memory_space<semaphore_mem>>) src(%dma_wait3A_111 : memref<640xf32, #tpu.memory_space<vmem_shared>>) dst(%arg6 : memref<640xf32, #tpu.memory_space<vmem>>)
      tpu.yield
    }) : () -> ()
    %mul3A_105 = arith.constant 640 : i32
    %mul3A_106 = arith.muli %arg1, %mul3A_105 : i32
    "tpu.region"() ({
      %run_scoped3A_107 = tpu.sem_alloc : memref<!tpu.dma_semaphore, #tpu.memory_space<semaphore_mem>>
      %dma_start3A_108 = tpu.memref_slice %arg3[%arg0, %mul3A_106] : memref<2x10240xf32, #tpu.memory_space<hbm>> -> memref<1x640xf32, #tpu.memory_space<hbm>>
      %dma_start3A_109 = tpu.memref_squeeze %dma_start3A_108 : memref<1x640xf32, #tpu.memory_space<hbm>> -> memref<640xf32, #tpu.memory_space<hbm>>
      %dma_start3A_110 = tpu.memref_slice %arg3[%arg0, %mul3A_106] : memref<2x10240xf32, #tpu.memory_space<hbm>> -> memref<1x640xf32, #tpu.memory_space<hbm>>
      %dma_start3A_111 = tpu.memref_squeeze %dma_start3A_110 : memref<1x640xf32, #tpu.memory_space<hbm>> -> memref<640xf32, #tpu.memory_space<hbm>>
      tpu.enqueue_dma source(%arg6 : memref<640xf32, #tpu.memory_space<vmem>>) target(%dma_start3A_111 : memref<640xf32, #tpu.memory_space<hbm>>) target_semaphore(%run_scoped3A_107 : memref<!tpu.dma_semaphore, #tpu.memory_space<semaphore_mem>>)
      %dma_wait3A_112 = tpu.memref_slice %arg3[%arg0, %mul3A_106] : memref<2x10240xf32, #tpu.memory_space<hbm>> -> memref<1x640xf32, #tpu.memory_space<hbm>>
      %dma_wait3A_113 = tpu.memref_squeeze %dma_wait3A_112 : memref<1x640xf32, #tpu.memory_space<hbm>> -> memref<640xf32, #tpu.memory_space<hbm>>
      %dma_wait3A_114 = tpu.memref_slice %arg3[%arg0, %mul3A_106] : memref<2x10240xf32, #tpu.memory_space<hbm>> -> memref<1x640xf32, #tpu.memory_space<hbm>>
      %dma_wait3A_115 = tpu.memref_squeeze %dma_wait3A_114 : memref<1x640xf32, #tpu.memory_space<hbm>> -> memref<640xf32, #tpu.memory_space<hbm>>
      tpu.wait_dma2 semaphore(%run_scoped3A_107 : memref<!tpu.dma_semaphore, #tpu.memory_space<semaphore_mem>>) src(%arg6 : memref<640xf32, #tpu.memory_space<vmem>>) dst(%dma_wait3A_115 : memref<640xf32, #tpu.memory_space<hbm>>)
      tpu.yield
    }) : () -> ()
    return
  }
}

module attributes {stable_mosaic.version = 14 : i64} {
  func.func @_pre_body(%arg0: i32, %arg1: memref<2000x128xf32, #tpu.memory_space<vmem>>, %arg2: memref<128x32xf32, #tpu.memory_space<vmem>>, %arg3: memref<128x32xf32, #tpu.memory_space<vmem>>, %arg4: memref<1x32xf32, #tpu.memory_space<vmem>>, %arg5: memref<2000x1xf32, #tpu.memory_space<vmem>>, %arg6: memref<2000x1xf32, #tpu.memory_space<vmem>>, %arg7: memref<2000x32xf32, #tpu.memory_space<vmem>>, %arg8: memref<2000x1xf32, #tpu.memory_space<vmem>>, %arg9: memref<2000x32xf32, #tpu.memory_space<vmem>>) attributes {dimension_semantics = [#tpu.dimension_semantics<arbitrary>], iteration_bounds = array<i64: 5>, scalar_prefetch = 0 : i64, scratch_operands = 0 : i64, tpu.core_type = #tpu.core_type<tc>, window_params = [{transform_indices = @transform_0, window_bounds = array<i64: 2000, 128>}, {pipeline_mode = #tpu.pipeline_mode<synchronous>, transform_indices = @transform_1, window_bounds = array<i64: 128, 32>}, {pipeline_mode = #tpu.pipeline_mode<synchronous>, transform_indices = @transform_2, window_bounds = array<i64: 128, 32>}, {pipeline_mode = #tpu.pipeline_mode<synchronous>, transform_indices = @transform_3, window_bounds = array<i64: 1, 32>}, {transform_indices = @transform_4, window_bounds = array<i64: 2000, 1>}, {transform_indices = @transform_5, window_bounds = array<i64: 2000, 1>}, {transform_indices = @transform_6, window_bounds = array<i64: 2000, 32>}, {transform_indices = @transform_7, window_bounds = array<i64: 2000, 1>}, {transform_indices = @transform_8, window_bounds = array<i64: 2000, 32>}]} {
    %get3A = arith.constant 0 : index
    %get3A_0 = arith.constant 0 : index
    %get3A_1 = vector.load %arg1[%get3A, %get3A_0] : memref<2000x128xf32, #tpu.memory_space<vmem>>, vector<2000x128xf32>
    %get3A_2 = arith.constant 0 : index
    %get3A_3 = arith.constant 0 : index
    %get3A_4 = vector.load %arg2[%get3A_2, %get3A_3] : memref<128x32xf32, #tpu.memory_space<vmem>>, vector<128x32xf32>
    %dot_general3A = arith.constant dense<0.000000e+00> : vector<2000x32xf32>
    %dot_general3A_5 = tpu.matmul %get3A_1, %get3A_4, %dot_general3A {dimension_numbers = #tpu.dot_dimension_numbers<[1], [0], [0], [1], [0, 0, 1, 1], [], []>, transpose_lhs_hint = false} : vector<2000x128xf32>, vector<128x32xf32>, vector<2000x32xf32> -> vector<2000x32xf32>
    %get3A_6 = arith.constant 0 : index
    %get3A_7 = arith.constant 0 : index
    %get3A_8 = vector.load %arg5[%get3A_6, %get3A_7] : memref<2000x1xf32, #tpu.memory_space<vmem>>, vector<2000x1xf32>
    %get3A_9 = arith.constant 0 : index
    %get3A_10 = arith.constant 0 : index
    %get3A_11 = vector.load %arg6[%get3A_9, %get3A_10] : memref<2000x1xf32, #tpu.memory_space<vmem>>, vector<2000x1xf32>
    %add3A = arith.addf %get3A_8, %get3A_11 : vector<2000x1xf32>
    %gt3A = arith.constant 0.000000e+00 : f32
    %gt3A_12 = vector.broadcast %gt3A : f32 to vector<2000x1xf32>
    %gt3A_13 = arith.cmpf ogt, %add3A, %gt3A_12 : vector<2000x1xf32>
    %max3A = arith.constant 9.99999996E-13 : f32
    %max3A_14 = vector.broadcast %max3A : f32 to vector<2000x1xf32>
    %max3A_15 = arith.maximumf %add3A, %max3A_14 : vector<2000x1xf32>
    %rsqrt3A = math.rsqrt %max3A_15 : vector<2000x1xf32>
    %jit3A = arith.constant 0.000000e+00 : f32
    %broadcast_in_dim3A = vector.broadcast %jit3A : f32 to vector<2000x1xf32>
    %select_n3A = arith.select %gt3A_13, %rsqrt3A, %broadcast_in_dim3A : vector<2000x1xi1>, vector<2000x1xf32>
    %mul3A = vector.broadcast %select_n3A : vector<2000x1xf32> to vector<2000x32xf32>
    %mul3A_16 = arith.mulf %dot_general3A_5, %mul3A : vector<2000x32xf32>
    %swap3A = arith.constant 0 : index
    %swap3A_17 = arith.constant 0 : index
    %swap3A_18 = vector.load %arg7[%swap3A, %swap3A_17] : memref<2000x32xf32, #tpu.memory_space<vmem>>, vector<2000x32xf32>
    tpu.vector_store %arg7[%swap3A, %swap3A_17], %mul3A_16 {strides = array<i32>} : memref<2000x32xf32, #tpu.memory_space<vmem>>, vector<2000x32xf32>,
    %swap3A_19 = arith.constant 0 : index
    %swap3A_20 = arith.constant 0 : index
    %swap3A_21 = vector.load %arg8[%swap3A_19, %swap3A_20] : memref<2000x1xf32, #tpu.memory_space<vmem>>, vector<2000x1xf32>
    tpu.vector_store %arg8[%swap3A_19, %swap3A_20], %select_n3A {strides = array<i32>} : memref<2000x1xf32, #tpu.memory_space<vmem>>, vector<2000x1xf32>,
    %get3A_22 = arith.constant 0 : index
    %get3A_23 = arith.constant 0 : index
    %get3A_24 = vector.load %arg3[%get3A_22, %get3A_23] : memref<128x32xf32, #tpu.memory_space<vmem>>, vector<128x32xf32>
    %dot_general3A_25 = arith.constant dense<0.000000e+00> : vector<2000x32xf32>
    %dot_general3A_26 = tpu.matmul %get3A_1, %get3A_24, %dot_general3A_25 {dimension_numbers = #tpu.dot_dimension_numbers<[1], [0], [0], [1], [0, 0, 1, 1], [], []>, transpose_lhs_hint = false} : vector<2000x128xf32>, vector<128x32xf32>, vector<2000x32xf32> -> vector<2000x32xf32>
    %get3A_27 = arith.constant 0 : index
    %get3A_28 = arith.constant 0 : index
    %get3A_29 = vector.load %arg4[%get3A_27, %get3A_28] : memref<1x32xf32, #tpu.memory_space<vmem>>, vector<1x32xf32>
    %add3A_30 = vector.broadcast %get3A_29 : vector<1x32xf32> to vector<2000x32xf32>
    %add3A_31 = arith.addf %dot_general3A_26, %add3A_30 : vector<2000x32xf32>
    %swap3A_32 = arith.constant 0 : index
    %swap3A_33 = arith.constant 0 : index
    %swap3A_34 = vector.load %arg9[%swap3A_32, %swap3A_33] : memref<2000x32xf32, #tpu.memory_space<vmem>>, vector<2000x32xf32>
    tpu.vector_store %arg9[%swap3A_32, %swap3A_33], %add3A_31 {strides = array<i32>} : memref<2000x32xf32, #tpu.memory_space<vmem>>, vector<2000x32xf32>,
    return
  }
  func.func @transform_0(%arg0: i32) -> (i32, i32) {
    %c0_i32 = arith.constant 0 : i32
    %c0_i32_0 = arith.constant 0 : i32
    return %arg0, %c0_i32 : i32, i32
  }
  func.func @transform_1(%arg0: i32) -> (i32, i32) {
    %c0_i32 = arith.constant 0 : i32
    %c0_i32_0 = arith.constant 0 : i32
    %c0_i32_1 = arith.constant 0 : i32
    return %c0_i32, %c0_i32_0 : i32, i32
  }
  func.func @transform_2(%arg0: i32) -> (i32, i32) {
    %c0_i32 = arith.constant 0 : i32
    %c0_i32_0 = arith.constant 0 : i32
    %c0_i32_1 = arith.constant 0 : i32
    return %c0_i32, %c0_i32_0 : i32, i32
  }
  func.func @transform_3(%arg0: i32) -> (i32, i32) {
    %c0_i32 = arith.constant 0 : i32
    %c0_i32_0 = arith.constant 0 : i32
    %c0_i32_1 = arith.constant 0 : i32
    return %c0_i32, %c0_i32_0 : i32, i32
  }
  func.func @transform_4(%arg0: i32) -> (i32, i32) {
    %c0_i32 = arith.constant 0 : i32
    %c0_i32_0 = arith.constant 0 : i32
    return %arg0, %c0_i32 : i32, i32
  }
  func.func @transform_5(%arg0: i32) -> (i32, i32) {
    %c0_i32 = arith.constant 0 : i32
    %c0_i32_0 = arith.constant 0 : i32
    return %arg0, %c0_i32 : i32, i32
  }
  func.func @transform_6(%arg0: i32) -> (i32, i32) {
    %c0_i32 = arith.constant 0 : i32
    %c0_i32_0 = arith.constant 0 : i32
    return %arg0, %c0_i32 : i32, i32
  }
  func.func @transform_7(%arg0: i32) -> (i32, i32) {
    %c0_i32 = arith.constant 0 : i32
    %c0_i32_0 = arith.constant 0 : i32
    return %arg0, %c0_i32 : i32, i32
  }
  func.func @transform_8(%arg0: i32) -> (i32, i32) {
    %c0_i32 = arith.constant 0 : i32
    %c0_i32_0 = arith.constant 0 : i32
    return %arg0, %c0_i32 : i32, i32
  }
}

module attributes {stable_mosaic.version = 14 : i64} {
  func.func @_post_body(%arg0: i32, %arg1: memref<1x2000x32xf32, #tpu.memory_space<vmem>>, %arg2: memref<1x2000x32xf32, #tpu.memory_space<vmem>>, %arg3: memref<2000x1xf32, #tpu.memory_space<vmem>>, %arg4: memref<1x32xf32, #tpu.memory_space<vmem>>, %arg5: memref<1x32xf32, #tpu.memory_space<vmem>>, %arg6: memref<1x32xf32, #tpu.memory_space<vmem>>, %arg7: memref<2000x32xf32, #tpu.memory_space<vmem>>, %arg8: memref<32x16xf32, #tpu.memory_space<vmem>>, %arg9: memref<1x16xf32, #tpu.memory_space<vmem>>, %arg10: memref<16x1xf32, #tpu.memory_space<vmem>>, %arg11: memref<1x1xf32, #tpu.memory_space<vmem>>, %arg12: memref<2000x1xf32, #tpu.memory_space<vmem>>) attributes {dimension_semantics = [#tpu.dimension_semantics<arbitrary>], iteration_bounds = array<i64: 5>, scalar_prefetch = 0 : i64, scratch_operands = 0 : i64, tpu.core_type = #tpu.core_type<tc>, window_params = [{transform_indices = @transform_0, window_bounds = array<i64: 1, 2000, 32>}, {transform_indices = @transform_1, window_bounds = array<i64: 1, 2000, 32>}, {transform_indices = @transform_2, window_bounds = array<i64: 2000, 1>}, {pipeline_mode = #tpu.pipeline_mode<synchronous>, transform_indices = @transform_3, window_bounds = array<i64: 1, 32>}, {pipeline_mode = #tpu.pipeline_mode<synchronous>, transform_indices = @transform_4, window_bounds = array<i64: 1, 32>}, {pipeline_mode = #tpu.pipeline_mode<synchronous>, transform_indices = @transform_5, window_bounds = array<i64: 1, 32>}, {transform_indices = @transform_6, window_bounds = array<i64: 2000, 32>}, {pipeline_mode = #tpu.pipeline_mode<synchronous>, transform_indices = @transform_7, window_bounds = array<i64: 32, 16>}, {pipeline_mode = #tpu.pipeline_mode<synchronous>, transform_indices = @transform_8, window_bounds = array<i64: 1, 16>}, {pipeline_mode = #tpu.pipeline_mode<synchronous>, transform_indices = @transform_9, window_bounds = array<i64: 16, 1>}, {pipeline_mode = #tpu.pipeline_mode<synchronous>, transform_indices = @transform_10, window_bounds = array<i64: 1, 1>}, {transform_indices = @transform_11, window_bounds = array<i64: 2000, 1>}]} {
    %get3A = arith.constant 0 : index
    %get3A_0 = arith.constant 0 : index
    %get3A_1 = arith.constant 0 : index
    %get3A_2 = vector.load %arg1[%get3A, %get3A_0, %get3A_1] : memref<1x2000x32xf32, #tpu.memory_space<vmem>>, vector<1x2000x32xf32>
    %get3A_3 = vector.shape_cast %get3A_2 : vector<1x2000x32xf32> to vector<2000x32xf32>
    %get3A_4 = arith.constant 0 : index
    %get3A_5 = arith.constant 0 : index
    %get3A_6 = arith.constant 0 : index
    %get3A_7 = vector.load %arg2[%get3A_4, %get3A_5, %get3A_6] : memref<1x2000x32xf32, #tpu.memory_space<vmem>>, vector<1x2000x32xf32>
    %get3A_8 = vector.shape_cast %get3A_7 : vector<1x2000x32xf32> to vector<2000x32xf32>
    %add3A = arith.addf %get3A_3, %get3A_8 : vector<2000x32xf32>
    %get3A_9 = arith.constant 0 : index
    %get3A_10 = arith.constant 0 : index
    %get3A_11 = vector.load %arg3[%get3A_9, %get3A_10] : memref<2000x1xf32, #tpu.memory_space<vmem>>, vector<2000x1xf32>
    %mul3A = vector.broadcast %get3A_11 : vector<2000x1xf32> to vector<2000x32xf32>
    %mul3A_12 = arith.mulf %add3A, %mul3A : vector<2000x32xf32>
    %get3A_13 = arith.constant 0 : index
    %get3A_14 = arith.constant 0 : index
    %get3A_15 = vector.load %arg4[%get3A_13, %get3A_14] : memref<1x32xf32, #tpu.memory_space<vmem>>, vector<1x32xf32>
    %add3A_16 = vector.broadcast %get3A_15 : vector<1x32xf32> to vector<2000x32xf32>
    %add3A_17 = arith.addf %mul3A_12, %add3A_16 : vector<2000x32xf32>
    %reduce_sum3A = arith.constant dense<0.000000e+00> : vector<2000xf32>
    %reduce_sum3A_18 = vector.multi_reduction <add>, %add3A_17, %reduce_sum3A [1] : vector<2000x32xf32> to vector<2000xf32>
    %broadcast_in_dim3A = vector.shape_cast %reduce_sum3A_18 : vector<2000xf32> to vector<2000x1xf32>
    %div3A = arith.constant 3.200000e+01 : f32
    %div3A_19 = vector.broadcast %div3A : f32 to vector<2000x1xf32>
    %div3A_20 = arith.divf %broadcast_in_dim3A, %div3A_19 : vector<2000x1xf32>
    %sub3A = vector.broadcast %div3A_20 : vector<2000x1xf32> to vector<2000x32xf32>
    %sub3A_21 = arith.subf %add3A_17, %sub3A : vector<2000x32xf32>
    %integer_pow3A = arith.mulf %sub3A_21, %sub3A_21 : vector<2000x32xf32>
    %reduce_sum3A_22 = arith.constant dense<0.000000e+00> : vector<2000xf32>
    %reduce_sum3A_23 = vector.multi_reduction <add>, %integer_pow3A, %reduce_sum3A_22 [1] : vector<2000x32xf32> to vector<2000xf32>
    %broadcast_in_dim3A_24 = vector.shape_cast %reduce_sum3A_23 : vector<2000xf32> to vector<2000x1xf32>
    %div3A_25 = arith.constant 3.200000e+01 : f32
    %div3A_26 = vector.broadcast %div3A_25 : f32 to vector<2000x1xf32>
    %div3A_27 = arith.divf %broadcast_in_dim3A_24, %div3A_26 : vector<2000x1xf32>
    %sub3A_28 = vector.broadcast %div3A_20 : vector<2000x1xf32> to vector<2000x32xf32>
    %sub3A_29 = arith.subf %add3A_17, %sub3A_28 : vector<2000x32xf32>
    %add3A_30 = arith.constant 9.99999974E-6 : f32
    %add3A_31 = vector.broadcast %add3A_30 : f32 to vector<2000x1xf32>
    %add3A_32 = arith.addf %div3A_27, %add3A_31 : vector<2000x1xf32>
    %sqrt3A = math.sqrt %add3A_32 : vector<2000x1xf32>
    %div3A_33 = vector.broadcast %sqrt3A : vector<2000x1xf32> to vector<2000x32xf32>
    %div3A_34 = arith.divf %sub3A_29, %div3A_33 : vector<2000x32xf32>
    %get3A_35 = arith.constant 0 : index
    %get3A_36 = arith.constant 0 : index
    %get3A_37 = vector.load %arg5[%get3A_35, %get3A_36] : memref<1x32xf32, #tpu.memory_space<vmem>>, vector<1x32xf32>
    %mul3A_38 = vector.broadcast %get3A_37 : vector<1x32xf32> to vector<2000x32xf32>
    %mul3A_39 = arith.mulf %div3A_34, %mul3A_38 : vector<2000x32xf32>
    %get3A_40 = arith.constant 0 : index
    %get3A_41 = arith.constant 0 : index
    %get3A_42 = vector.load %arg6[%get3A_40, %get3A_41] : memref<1x32xf32, #tpu.memory_space<vmem>>, vector<1x32xf32>
    %add3A_43 = vector.broadcast %get3A_42 : vector<1x32xf32> to vector<2000x32xf32>
    %add3A_44 = arith.addf %mul3A_39, %add3A_43 : vector<2000x32xf32>
    %max3A = arith.constant 0.000000e+00 : f32
    %max3A_45 = vector.broadcast %max3A : f32 to vector<2000x32xf32>
    %max3A_46 = arith.maximumf %add3A_44, %max3A_45 : vector<2000x32xf32>
    %get3A_47 = arith.constant 0 : index
    %get3A_48 = arith.constant 0 : index
    %get3A_49 = vector.load %arg7[%get3A_47, %get3A_48] : memref<2000x32xf32, #tpu.memory_space<vmem>>, vector<2000x32xf32>
    %add3A_50 = arith.addf %max3A_46, %get3A_49 : vector<2000x32xf32>
    %get3A_51 = arith.constant 0 : index
    %get3A_52 = arith.constant 0 : index
    %get3A_53 = vector.load %arg8[%get3A_51, %get3A_52] : memref<32x16xf32, #tpu.memory_space<vmem>>, vector<32x16xf32>
    %dot_general3A = arith.constant dense<0.000000e+00> : vector<2000x16xf32>
    %dot_general3A_54 = tpu.matmul %add3A_50, %get3A_53, %dot_general3A {dimension_numbers = #tpu.dot_dimension_numbers<[1], [0], [0], [1], [0, 0, 1, 1], [], []>, transpose_lhs_hint = false} : vector<2000x32xf32>, vector<32x16xf32>, vector<2000x16xf32> -> vector<2000x16xf32>
    %get3A_55 = arith.constant 0 : index
    %get3A_56 = arith.constant 0 : index
    %get3A_57 = vector.load %arg9[%get3A_55, %get3A_56] : memref<1x16xf32, #tpu.memory_space<vmem>>, vector<1x16xf32>
    %add3A_58 = vector.broadcast %get3A_57 : vector<1x16xf32> to vector<2000x16xf32>
    %add3A_59 = arith.addf %dot_general3A_54, %add3A_58 : vector<2000x16xf32>
    %max3A_60 = arith.constant 0.000000e+00 : f32
    %max3A_61 = vector.broadcast %max3A_60 : f32 to vector<2000x16xf32>
    %max3A_62 = arith.maximumf %add3A_59, %max3A_61 : vector<2000x16xf32>
    %get3A_63 = arith.constant 0 : index
    %get3A_64 = arith.constant 0 : index
    %get3A_65 = vector.load %arg10[%get3A_63, %get3A_64] : memref<16x1xf32, #tpu.memory_space<vmem>>, vector<16x1xf32>
    %dot_general3A_66 = arith.constant dense<0.000000e+00> : vector<2000x1xf32>
    %dot_general3A_67 = tpu.matmul %max3A_62, %get3A_65, %dot_general3A_66 {dimension_numbers = #tpu.dot_dimension_numbers<[1], [0], [0], [1], [0, 0, 1, 1], [], []>, transpose_lhs_hint = false} : vector<2000x16xf32>, vector<16x1xf32>, vector<2000x1xf32> -> vector<2000x1xf32>
    %get3A_68 = arith.constant 0 : index
    %get3A_69 = arith.constant 0 : index
    %get3A_70 = vector.load %arg11[%get3A_68, %get3A_69] : memref<1x1xf32, #tpu.memory_space<vmem>>, vector<1x1xf32>
    %add3A_71 = vector.broadcast %get3A_70 : vector<1x1xf32> to vector<2000x1xf32>
    %add3A_72 = arith.addf %dot_general3A_67, %add3A_71 : vector<2000x1xf32>
    %max3A_73 = arith.constant 0.000000e+00 : f32
    %max3A_74 = vector.broadcast %max3A_73 : f32 to vector<2000x1xf32>
    %max3A_75 = arith.maximumf %add3A_72, %max3A_74 : vector<2000x1xf32>
    %abs3A = math.absf %add3A_72 : vector<2000x1xf32>
    %neg3A = arith.constant 0.000000e+00 : f32
    %neg3A_76 = vector.broadcast %neg3A : f32 to vector<2000x1xf32>
    %neg3A_77 = arith.subf %neg3A_76, %abs3A : vector<2000x1xf32>
    %exp3A = math.exp %neg3A_77 : vector<2000x1xf32>
    %log1p3A = math.log1p %exp3A : vector<2000x1xf32>
    %add3A_78 = arith.addf %max3A_75, %log1p3A : vector<2000x1xf32>
    %swap3A = arith.constant 0 : index
    %swap3A_79 = arith.constant 0 : index
    %swap3A_80 = vector.load %arg12[%swap3A, %swap3A_79] : memref<2000x1xf32, #tpu.memory_space<vmem>>, vector<2000x1xf32>
    tpu.vector_store %arg12[%swap3A, %swap3A_79], %add3A_78 {strides = array<i32>} : memref<2000x1xf32, #tpu.memory_space<vmem>>, vector<2000x1xf32>,
    return
  }
  func.func @transform_0(%arg0: i32) -> (i32, i32, i32) {
    %c0_i32 = arith.constant 0 : i32
    %c0_i32_0 = arith.constant 0 : i32
    %c0_i32_1 = arith.constant 0 : i32
    return %c0_i32, %arg0, %c0_i32_0 : i32, i32, i32
  }
  func.func @transform_1(%arg0: i32) -> (i32, i32, i32) {
    %c1_i32 = arith.constant 1 : i32
    %c0_i32 = arith.constant 0 : i32
    %c0_i32_0 = arith.constant 0 : i32
    return %c1_i32, %arg0, %c0_i32 : i32, i32, i32
  }
  func.func @transform_2(%arg0: i32) -> (i32, i32) {
    %c0_i32 = arith.constant 0 : i32
    %c0_i32_0 = arith.constant 0 : i32
    return %arg0, %c0_i32 : i32, i32
  }
  func.func @transform_3(%arg0: i32) -> (i32, i32) {
    %c0_i32 = arith.constant 0 : i32
    %c0_i32_0 = arith.constant 0 : i32
    %c0_i32_1 = arith.constant 0 : i32
    return %c0_i32, %c0_i32_0 : i32, i32
  }
  func.func @transform_4(%arg0: i32) -> (i32, i32) {
    %c0_i32 = arith.constant 0 : i32
    %c0_i32_0 = arith.constant 0 : i32
    %c0_i32_1 = arith.constant 0 : i32
    return %c0_i32, %c0_i32_0 : i32, i32
  }
  func.func @transform_5(%arg0: i32) -> (i32, i32) {
    %c0_i32 = arith.constant 0 : i32
    %c0_i32_0 = arith.constant 0 : i32
    %c0_i32_1 = arith.constant 0 : i32
    return %c0_i32, %c0_i32_0 : i32, i32
  }
  func.func @transform_6(%arg0: i32) -> (i32, i32) {
    %c0_i32 = arith.constant 0 : i32
    %c0_i32_0 = arith.constant 0 : i32
    return %arg0, %c0_i32 : i32, i32
  }
  func.func @transform_7(%arg0: i32) -> (i32, i32) {
    %c0_i32 = arith.constant 0 : i32
    %c0_i32_0 = arith.constant 0 : i32
    %c0_i32_1 = arith.constant 0 : i32
    return %c0_i32, %c0_i32_0 : i32, i32
  }
  func.func @transform_8(%arg0: i32) -> (i32, i32) {
    %c0_i32 = arith.constant 0 : i32
    %c0_i32_0 = arith.constant 0 : i32
    %c0_i32_1 = arith.constant 0 : i32
    return %c0_i32, %c0_i32_0 : i32, i32
  }
  func.func @transform_9(%arg0: i32) -> (i32, i32) {
    %c0_i32 = arith.constant 0 : i32
    %c0_i32_0 = arith.constant 0 : i32
    %c0_i32_1 = arith.constant 0 : i32
    return %c0_i32, %c0_i32_0 : i32, i32
  }
  func.func @transform_10(%arg0: i32) -> (i32, i32) {
    %c0_i32 = arith.constant 0 : i32
    %c0_i32_0 = arith.constant 0 : i32
    %c0_i32_1 = arith.constant 0 : i32
    return %c0_i32, %c0_i32_0 : i32, i32
  }
  func.func @transform_11(%arg0: i32) -> (i32, i32) {
    %c0_i32 = arith.constant 0 : i32
    %c0_i32_0 = arith.constant 0 : i32
    return %arg0, %c0_i32 : i32, i32
  }
}

</mosaic_0001>

<sc_bundles>
// kernel: kernel.6.cloned.1.call-start
scs
__scs_entry_jumppad:
0x0: {  	(pc) =	sbr.rel $0x88, $3  }
0x1: {  	(tag) =	ssettag $0x0;
	lr =	simm.s32 $0x1  }
0x2: {  	[smem:$0x3F95] =	sst lr;
	_ =	strace $0xD0000000  }
0x3: {  	_ = 	snop  }
0x4: {  	_ = 	snop  }
0x5: {  	_ = 	snop  }
0x6: {  	_ = 	snop  }
0x7: {  	_ = 	snop  }
__scs_overlays_trampoline_lowered:
0x8: {  	[smem:$0x3FA4] =	sst s0  }
0x9: {  	[smem:$0x3FA5] =	sst s1  }
0xa: {  	[smem:$0x3FA6] =	sst s2  }
0xb: {  	[smem:$0x3FA7] =	sst s3  }
0xc: {  	[smem:$0x3FA8] =	sst s4  }
0xd: {  	[smem:$0x3FA9] =	sst s5  }
0xe: {  	[smem:$0x3FAA] =	sst s6  }
0xf: {  	[smem:$0x3FAB] =	sst s7  }
0x10: {  	[smem:$0x3FAC] =	sst s8  }
0x11: {  	[smem:$0x3FAD] =	sst s9;
	s0 =	simm.s32 @!p0 $0x0  }
0x12: {  	s1 =	sld [smem:$0x3F93];
	s0 =	simm.s32 @p0 $0x1  }
0x13: {  	[smem:$0x3FAE] =	sst s0;
	s0 =	simm.s32 @!p1 $0x0  }
0x14: {  	s2 =	sld [smem:$0x3F92];
	s0 =	simm.s32 @p1 $0x1  }
0x15: {  	[smem:$0x3FAF] =	sst s0;
	s0 =	simm.s32 @!p2 $0x0  }
0x16: {  	s3 =	sld [smem:$0x3FDB];
	s0 =	simm.s32 @p2 $0x1  }
0x17: {  	s4 =	simm.s32 $0x1BF5;
	[smem:$0x3FB1] =	sst s0  }
0x18: {  	s0 =	sld [smem:$0x3F94];
	_ =	swait.ge [sflag:s4], $0x0  }
0x19: {  	s7 =	sld [smem:$0x3F95]  }
0x1a: {  	s8 =	sadd.s32 $0xFFFFE003, lr  }
0x1b: {  	s9 =	sadd.s32 $0xFFFFFEF7, lr;
	s5 =	simm.s32 $0xFFFFFFFF;
	p2 =	slt.u32 s8, $0xFFFFF086  }
0x1c: {  	p1 =	slt.u32 s9, $0xF7A;
	s5 =	simm.s32 @!p2 $0x0  }
0x1d: {  	s5 =	simm.s32 @p1 $0x1;
	p0 =	seq.s32 s7, s2  }
0x1e: {  	s7 =	smul.u32 @!p0 $0xF7A, s2;
	p2 =	seq.s32 @!p0 s5, $0x0  }
0x1f: {  	s9 =	smul.u32 $0xF7A, s1;
	s8 =	simm.s32 @!p0 $0x1BF5;
	p2 =	por !p2, p0  }
0x20: {  	[sflag:s8] =	ssyncset.s32 @!p0 $0xFFFFF086;
	s6 =	sadd.s32 @!p0 s3, s7;
	s7 =	simm.s32 @!p0 $0x108  }
0x21: {  	s3 =	sadd.s32 s3, s9;
	s6 =	sadd.s32 @!p0 $0x88, s6;
	s7 =	simm.s32 @p2 $0x1082  }
0x22: {  	[simem:s7], [sflag:s8] =	dma.local @!p0 [hbm:s6], $0xF7A  }
0x23: {  	s9 =	sor.u32 $0xD0000000, s2;
	s6 =	simm.s32 $0x108;
	_ =	swait.ge @!p0 [sflag:s8], $0x0  }
0x24: {  	s3 =	sadd.s32 $0x88, s3;
	s6 =	simm.s32 @!p1 $0x1082;
	[sflag:s4] =	ssyncset.s32 $0xFFFFF086  }
0x25: {  	[simem:s6], [sflag:s4] =	dma.local [hbm:s3], $0xF7A  }
0x26: {  	[smem:$0x3F95] =	sst s1;
	(tag) =	ssettag s2;
	_ =	strace s9  }
0x27: {  	s1 =	sld [smem:$0x3FA5]  }
0x28: {  	s2 =	sld [smem:$0x3FA6]  }
0x29: {  	s4 =	sld [smem:$0x3FA8]  }
0x2a: {  	p0 =	seq.s32 s5, $0x0;
	s5 =	sld [smem:$0x3FA9]  }
0x2b: {  	s6 =	sld [smem:$0x3FAA]  }
0x2c: {  	s7 =	sld [smem:$0x3FAB]  }
0x2d: {  	s3 =	simm.s32 $0x108;
	s8 =	sld [smem:$0x3FAC]  }
0x2e: {  	s3 =	simm.s32 @!p0 $0x1082;
	s9 =	sld [smem:$0x3FAD]  }
0x2f: {  	lr =	sadd.s32 s0, s3;
	s0 =	sld [smem:$0x3FA4]  }
0x30: {  	s3 =	sld [smem:$0x3FA7]  }
0x31: {  	[smem:$0x3FB0] =	sst s10  }
0x32: {  	s10 =	sld [smem:$0x3FAE];
	_ =	sdelay $0x3  }
0x33: {  	p0 =	seq.s32 s10, $0x1;
	s10 =	sld [smem:$0x3FB0];
	_ =	sdelay $0x3  }
0x34: {  	[smem:$0x3FB0] =	sst s10  }
0x35: {  	s10 =	sld [smem:$0x3FAF];
	_ =	sdelay $0x3  }
0x36: {  	p1 =	seq.s32 s10, $0x1;
	s10 =	sld [smem:$0x3FB0];
	_ =	sdelay $0x3  }
0x37: {  	[smem:$0x3FB0] =	sst s10  }
0x38: {  	s10 =	sld [smem:$0x3FB1]  }
0x39: {  	_ = 	snop;
	(pc) =	sbr.ind lr, $3  }
0x3a: {  	_ = 	snop  }
0x3b: {  	_ = 	snop  }
0x3c: {  	p2 =	seq.s32 s10, $0x1;
	s10 =	sld [smem:$0x3FB0]  }
0x3d: {  	_ =	shalt  }
0x3e: {  	_ =	shalt  }
0x3f: {  	_ =	shalt  }
0x40: {  	_ =	shalt  }
0x41: {  	_ =	shalt  }
0x42: {  	_ =	shalt  }
0x43: {  	_ =	shalt  }
0x44: {  	_ =	shalt  }
0x45: {  	_ =	shalt  }
0x46: {  	_ =	shalt  }
0x47: {  	_ =	shalt  }
0x48: {  	_ =	shalt  }
0x49: {  	_ =	shalt  }
0x4a: {  	_ =	shalt  }
0x4b: {  	_ =	shalt  }
0x4c: {  	_ =	shalt  }
0x4d: {  	_ =	shalt  }
0x4e: {  	_ =	shalt  }
0x4f: {  	_ =	shalt  }
0x50: {  	_ =	shalt  }
0x51: {  	_ =	shalt  }
0x52: {  	_ =	shalt  }
0x53: {  	_ =	shalt  }
0x54: {  	_ =	shalt  }
0x55: {  	_ =	shalt  }
0x56: {  	_ =	shalt  }
0x57: {  	_ =	shalt  }
0x58: {  	_ =	shalt  }
0x59: {  	_ =	shalt  }
0x5a: {  	_ =	shalt  }
0x5b: {  	_ =	shalt  }
0x5c: {  	_ =	shalt  }
0x5d: {  	_ =	shalt  }
0x5e: {  	_ =	shalt  }
0x5f: {  	_ =	shalt  }
0x60: {  	_ =	shalt  }
0x61: {  	_ =	shalt  }
0x62: {  	_ =	shalt  }
0x63: {  	_ =	shalt  }
0x64: {  	_ =	shalt  }
0x65: {  	_ =	shalt  }
0x66: {  	_ =	shalt  }
0x67: {  	_ =	shalt  }
0x68: {  	_ =	shalt  }
0x69: {  	_ =	shalt  }
0x6a: {  	_ =	shalt  }
0x6b: {  	_ =	shalt  }
0x6c: {  	_ =	shalt  }
0x6d: {  	_ =	shalt  }
0x6e: {  	_ =	shalt  }
0x6f: {  	_ =	shalt  }
0x70: {  	_ =	shalt  }
0x71: {  	_ =	shalt  }
0x72: {  	_ =	shalt  }
0x73: {  	_ =	shalt  }
0x74: {  	_ =	shalt  }
0x75: {  	_ =	shalt  }
0x76: {  	_ =	shalt  }
0x77: {  	_ =	shalt  }
0x78: {  	_ =	shalt  }
0x79: {  	_ =	shalt  }
0x7a: {  	_ =	shalt  }
0x7b: {  	_ =	shalt  }
0x7c: {  	_ =	shalt  }
0x7d: {  	_ =	shalt  }
0x7e: {  	_ =	shalt  }
0x7f: {  	_ =	shalt  }
0x80: {  	_ =	shalt  }
0x81: {  	_ =	shalt  }
0x82: {  	_ =	shalt  }
0x83: {  	_ =	shalt  }
0x84: {  	_ =	shalt  }
0x85: {  	_ =	shalt  }
0x86: {  	_ =	shalt  }
0x87: {  	_ =	shalt  }
.Lfunc_end0:
.L_simem_size_0:
called_computation_lowered:
.L_overlay_start_0:
0x88: {  	s2 =	sld [smem:$0x3FD9]  }
0x89: {  	s3 =	sld [smem:$0x3FFE];
	_ =	sdelay $0x1  }
0x8a: {  	s1 =	srdreg.scid  }
0x8b: {  	s0 =	sand.u32 $0x1, s1  }
0x8c: {  	s16 =	sshll.u32 s0, $0xA;
	s2 =	sadd.s32 s3, s2  }
0x8d: {  	s2 =	sadd.s32 s2, s16  }
0x8e: {  	[smem:$0x3FBC] =	sst s2  }
0x8f: {  	_ = 	snop  }
0x90: {  	(tm) =	ssettm $0x1  }
0x91: {  	s17 =	sld [smem:$0x3FFB];
	_ =	sdelay $0x3  }
0x92: {  	_ =	strace s17  }
0x93: {  	s2 =	sld [smem:$0x3FFC];
	_ =	sdelay $0x3  }
0x94: {  	_ =	strace s2  }
0x95: {  	s2 =	sld [smem:$0x3FFD];
	_ =	sdelay $0x3  }
0x96: {  	_ =	strace s2  }
0x97: {  	_ =	strace $0x8FFFFFFF  }
0x98: {  	s18 =	sld [smem:$0x3FDB];
	_ =	sdelay $0x1  }
0x99: {  	s19 =	simm.s32 $_scs_section_size  }
0x9a: {  	s4 =	simm.s32 $_size__tile_overlayer_lowered;
	s5 =	simm.s32 $_tile_overlayer_lowered  }
0x9b: {  	s22 =	simm.s32 $0x1BFF;
	s21 =	sshll.u32 s5, $0x1;
	s2 =	sadd.s32 s19, s18  }
0x9c: {  	s6 =	simm.s32 $0x0;
	s20 =	sshll.u32 s4, $0x1;
	s4 =	sadd.s32 s21, s2  }
0x9d: {  	[timem:s6], [sflag:s22] =	dma.local [hbm:s4], s20  }
0x9e: {  	_ =	swait.ge [sflag:s22], s20  }
0x9f: {  	s3 =	ssub.s32 $0x0, s20;
	[sflag:s22] =	ssyncset.done $0x0  }
0xa0: {  	[sflag:s22] =	ssyncadd.s32 s3;
	_ =	sdelay $0x1  }
0xa1: {  	s23 =	simm.s32 $0x1B8B  }
0xa2: {  	_ =	swait.ge [sflag:s23], $0x1  }
0xa3: {  	[sflag:s23] =	ssyncset.done $0x0  }
0xa4: {  	s25 =	simm.s32 $0x1B8E;
	s24 =	sld [smem:$0x3FFE];
	[sflag:s23] =	ssyncadd.s32 $0xFFFFFFFF  }
0xa5: {  	s26 =	simm.s32 $execute0_lowered;
	[smem:$0x3FD2] =	sst s25  }
0xa6: {  	s4 =	sshll.u32 s26, $0x1;
	_ =	strace $0x80000046;
	[dreg:$0x1] =	wrdreg $0xFFFFFFFF  }
0xa7: {  	s28 =	simm.s32 $_size_execute0_lowered;
	s2 =	sadd.s32 s2, s4;
	[dreg:$0x0] =	wrdreg $0x0  }
0xa8: {  	s4 =	sshll.u32 s28, $0x1;
	[dreg:$0x2] =	wrdreg s2  }
0xa9: {  	[dreg:$0x3] =	wrdreg s4  }
0xaa: {  	[dreg:$0x4] =	wrdreg $0xC0  }
0xab: {  	_ =	task [dreg:s6], $0x5FFFF  }
0xac: {  	[dreg:$0x1] =	wrdreg $0xFFFFFFFF  }
0xad: {  	[dreg:$0x0] =	wrdreg $0x60  }
0xae: {  	[dreg:$0x2] =	wrdreg s24  }
0xaf: {  	[dreg:$0x3] =	wrdreg $0x29E00  }
0xb0: {  	[dreg:$0x4] =	wrdreg $0x9  }
0xb1: {  	_ =	task.clear_ibuf [dreg:s6], $0x5FFFF;
	_ =	strace $0x90000046  }
0xb2: {  	s29 =	simm.s32 $0x9;
	_ =	strace $0x80000048  }
0xb3: {  	_ =	swait.ge [sflag:s29], $0x1  }
0xb4: {  	[sflag:s29] =	ssyncadd.s32 $0xFFFFFFFF  }
0xb5: {  	_ =	strace $0x90000048  }
0xb6: {  	_ =	sfence  }
0xb7: {  	s30 =	sld [smem:$0x0];
	_ =	sdelay $0x2  }
0xb8: {  	s31 =	sshll.u32 s1, $0xD;
	s1 =	sshrl.u32 s1, $0x2  }
0xb9: {  	s3 =	sand.u32 $0x4000, s31;
	s1 =	sadd.s32 s1, s30  }
0xba: {  	s0 =	sor.u32 s3, s0;
	s1 =	sshll.u32 s1, $0x11  }
0xbb: {  	s0 =	sor.u32 s1, s0  }
0xbc: {  	s0 =	sadd.s32 $0x8F2B, s0  }
0xbd: {  	[sflag:s0] =	ssyncadd.remote.s32 $0x1  }
0xbe: {  	_ =	sfence.sel $0xFFFF  }
0xbf: {  	[dreg:$0x0] =	wrdreg $0xFFFFFFFF;
	(pc) =	sbr.abs _section_cstart, $3  }
0xc0: {  	[dreg:$0x1] =	wrdreg $0xFFFFFFFF  }
0xc1: {  	_ =	task.clear_ibuf [dreg:s6], $0x2FFFF;
	_ =	strace $0x9FFFFFFF  }
0xc2: {  	(tm) =	ssettm $0x7FFFFFFF  }
0xc3: {  	_ =	shalt  }
tec
execute0_lowered:
.L_overlay_start_1:
0x0: {  	(tag) =	ssettag $0x1  }
0x1: {  	s4 =	rddreg [dreg:$0x0]  }
0x2: {  	s2 =	rddreg [dreg:$0x1]  }
0x3: {  	s0 =	rddreg [dreg:$0x2]  }
0x4: {  	s3 =	srdreg.scid;
	s1 =	stileid.u32;
	s10 =	simm.s32 $0x50  }
0x5: {  	s11 =	simm.s32 $0x2710;
	s12 =	simm.s32 $0xA0;
	s13 =	simm.s32 $0xF0  }
0x6: {  	s14 =	simm.s32 $0x140;
	s15 =	simm.s32 $0x1;
	s16 =	simm.s32 $0x2  }
0x7: {  	s17 =	simm.s32 $0x3;
	s18 =	simm.s32 $0x4;
	s19 =	simm.s32 $0x5  }
0x8: {  	s5 =	sand.u32 $0x1, s3;
	s6 =	smul.u32 $0x280, s1;
	s7 =	sshll.u32 s1, $0x1  }
0x9: {  	s3 =	simm.s32 $0x0;
	s8 =	smul.u32 $0x2800, s5;
	s7 =	sor.u32 s5, s7  }
0xa: {  	s20 =	simm.s32 $0x0;
	[smem:$0x7FF] =	sst s3;
	s7 =	smul.u32 $0x2710, s7  }
0xb: {  	s5 =	ssub.s32 $0x2, s5;
	_ =	strace $0x80000047;
	s8 =	sadd.s32 s6, s8  }
0xc: {  	s9 =	sshrl.u32 s5, $0x1;
	s8 =	sshrl.u32 s8, $0x3;
	s7 =	sshrl.u32 s7, $0x3  }
0xd: {  	s9 =	ssub.s32 s5, s9;
	s8 =	sadd.s32 s8, s4;
	s7 =	sadd.s32 s4, s7  }
0xe: {  	s4 =	sadd.s32 s6, s2;
	s5 =	sadd.s32 $0xBE40, s7;
	s6 =	sadd.s32 $0x15C00, s8  }
0xf: {  	v0 =	vimm.f32 $0.0e+00;
	v1 =	vimm.f32 $1.000000000e+00;
	s7 =	smax.u32 s9, $0x1;
	s8 =	simm.s32 $0x2760;
	s9 =	simm.s32 $0x6  }
.LBB2_1:
0x10: {  	[tilespmem:$0x2760] =	vst v0  }
0x11: {  	[tilespmem:$0x2770] =	vst v0  }
0x12: {  	[tilespmem:$0x2780] =	vst v0  }
0x13: {  	[tilespmem:$0x2790] =	vst v0  }
0x14: {  	[tilespmem:$0x27A0] =	vst v0  }
0x15: {  	[tilespmem:$0x27B0] =	vst v0  }
0x16: {  	[tilespmem:$0x27C0] =	vst v0  }
0x17: {  	[tilespmem:$0x27D0] =	vst v0  }
0x18: {  	[tilespmem:$0x27E0] =	vst v0  }
0x19: {  	[tilespmem:$0x27F0] =	vst v0  }
0x1a: {  	[tilespmem:$0x2800] =	vst v0  }
0x1b: {  	[tilespmem:$0x2810] =	vst v0  }
0x1c: {  	[tilespmem:$0x2820] =	vst v0  }
0x1d: {  	[tilespmem:$0x2830] =	vst v0  }
0x1e: {  	[tilespmem:$0x2840] =	vst v0  }
0x1f: {  	[tilespmem:$0x2850] =	vst v0  }
0x20: {  	[tilespmem:$0x2860] =	vst v0  }
0x21: {  	[tilespmem:$0x2870] =	vst v0  }
0x22: {  	[tilespmem:$0x2880] =	vst v0  }
0x23: {  	[tilespmem:$0x2890] =	vst v0  }
0x24: {  	[tilespmem:$0x28A0] =	vst v0  }
0x25: {  	[tilespmem:$0x28B0] =	vst v0  }
0x26: {  	[tilespmem:$0x28C0] =	vst v0  }
0x27: {  	[tilespmem:$0x28D0] =	vst v0  }
0x28: {  	[tilespmem:$0x28E0] =	vst v0  }
0x29: {  	[tilespmem:$0x28F0] =	vst v0  }
0x2a: {  	[tilespmem:$0x2900] =	vst v0  }
0x2b: {  	[tilespmem:$0x2910] =	vst v0  }
0x2c: {  	[tilespmem:$0x2920] =	vst v0  }
0x2d: {  	[tilespmem:$0x2930] =	vst v0  }
0x2e: {  	[tilespmem:$0x2940] =	vst v0  }
0x2f: {  	[tilespmem:$0x2950] =	vst v0  }
0x30: {  	[tilespmem:$0x2960] =	vst v0  }
0x31: {  	[tilespmem:$0x2970] =	vst v0  }
0x32: {  	[tilespmem:$0x2980] =	vst v0  }
0x33: {  	[tilespmem:$0x2990] =	vst v0  }
0x34: {  	[tilespmem:$0x29A0] =	vst v0  }
0x35: {  	[tilespmem:$0x29B0] =	vst v0  }
0x36: {  	[tilespmem:$0x29C0] =	vst v0  }
0x37: {  	[tilespmem:$0x29D0] =	vst v0  }
0x38: {  	[spmem:s4] =	stream.linear.scatter [tilespmem:s8], [sflag:$0x6], $0x280, $0x38;
	[tilespmem:$0x2C60] =	vst v63  }
0x39: {  	_ =	swait.ge [sflag:s9], $0x280  }
0x3a: {  	[sflag:s9] =	ssyncset.done $0x0  }
0x3b: {  	[sflag:s9] =	ssyncadd.s32 $0xFFFFFD80  }
0x3c: {  	[tilespmem:$0x2710] =	vst v1  }
0x3d: {  	[tilespmem:$0x2720] =	vst v1  }
0x3e: {  	[tilespmem:$0x2730] =	vst v1  }
0x3f: {  	[tilespmem:$0x2740] =	vst v1  }
0x40: {  	[tilespmem:$0x2750] =	vst v1  }
0x41: {  	[tilespmem:s3], [sflag:$0x6] =	stream.linear.gather [hbm4b:s5+s3], $0x2710, $0x38;
	[tilespmem:$0x2C60] =	vst v63  }
0x42: {  	_ =	swait.ge [sflag:s9], $0x2710  }
0x43: {  	[sflag:s9] =	ssyncset.done $0x0  }
0x44: {  	[sflag:s9] =	ssyncadd.s32 $0xFFFFD8F0  }
0x45: {  	[bflag:$0x0] =	sbarrier.arrive $0xFFFF  }
0x46: {  	[spmem:s2] =	stream.indirect.scatter.add.f32 [tilespmem:s11], [sflag:$0x1], $0x1, s3, s10, $0xb8;
	[tilespmem:$0x2C60] =	vst v63  }
0x47: {  	_ = 	snop  }
0x48: {  	[spmem:s2] =	stream.indirect.scatter.add.f32 [tilespmem:s11], [sflag:$0x2], $0x1, s10, s10, $0xb8;
	[tilespmem:$0x2C60] =	vst v63  }
0x49: {  	_ = 	snop  }
0x4a: {  	[spmem:s2] =	stream.indirect.scatter.add.f32 [tilespmem:s11], [sflag:$0x3], $0x1, s12, s10, $0xb8;
	[tilespmem:$0x2C60] =	vst v63  }
0x4b: {  	_ = 	snop  }
0x4c: {  	[spmem:s2] =	stream.indirect.scatter.add.f32 [tilespmem:s11], [sflag:$0x4], $0x1, s13, s10, $0xb8;
	[tilespmem:$0x2C60] =	vst v63  }
0x4d: {  	_ = 	snop  }
0x4e: {  	[spmem:s2] =	stream.indirect.scatter.add.f32 [tilespmem:s11], [sflag:$0x5], $0x1, s14, s10, $0xb8;
	[tilespmem:$0x2C60] =	vst v63  }
0x4f: {  	s21 =	simm.s32 $0x190  }
0x50: {  	[spmem:s2] =	stream.indirect.scatter.add.f32 [tilespmem:s11], [sflag:$0x1], $0x1, s21, s10, $0xb8;
	[tilespmem:$0x2C60] =	vst v63  }
0x51: {  	_ =	swait.ge [sflag:s15], $0x50  }
0x52: {  	[sflag:s15] =	ssyncset.done $0x0  }
0x53: {  	s28 =	simm.s32 $0x1E0;
	[sflag:s15] =	ssyncadd.s32 $0xFFFFFFB0  }
0x54: {  	[spmem:s2] =	stream.indirect.scatter.add.f32 [tilespmem:s11], [sflag:$0x2], $0x1, s28, s10, $0xb8;
	[tilespmem:$0x2C60] =	vst v63  }
0x55: {  	_ =	swait.ge [sflag:s16], $0x50  }
0x56: {  	[sflag:s16] =	ssyncset.done $0x0  }
0x57: {  	s29 =	simm.s32 $0x230;
	[sflag:s16] =	ssyncadd.s32 $0xFFFFFFB0  }
0x58: {  	[spmem:s2] =	stream.indirect.scatter.add.f32 [tilespmem:s11], [sflag:$0x3], $0x1, s29, s10, $0xb8;
	[tilespmem:$0x2C60] =	vst v63  }
0x59: {  	_ =	swait.ge [sflag:s17], $0x50  }
0x5a: {  	[sflag:s17] =	ssyncset.done $0x0  }
0x5b: {  	s30 =	simm.s32 $0x280;
	[sflag:s17] =	ssyncadd.s32 $0xFFFFFFB0  }
0x5c: {  	[spmem:s2] =	stream.indirect.scatter.add.f32 [tilespmem:s11], [sflag:$0x4], $0x1, s30, s10, $0xb8;
	[tilespmem:$0x2C60] =	vst v63  }
0x5d: {  	_ =	swait.ge [sflag:s18], $0x50  }
0x5e: {  	[sflag:s18] =	ssyncset.done $0x0  }
0x5f: {  	s31 =	simm.s32 $0x2D0;
	[sflag:s18] =	ssyncadd.s32 $0xFFFFFFB0  }
0x60: {  	[spmem:s2] =	stream.indirect.scatter.add.f32 [tilespmem:s11], [sflag:$0x5], $0x1, s31, s10, $0xb8;
	[tilespmem:$0x2C60] =	vst v63  }
0x61: {  	_ =	swait.ge [sflag:s19], $0x50  }
0x62: {  	s22 =	simm.s32 $0xFFFF7680;
	s21 =	simm.s32 $0xFFFFDC10;
	[sflag:s19] =	ssyncset.done $0x0  }
.LBB2_2:
0x63: {  	s23 =	sadd.s32 $0x2710, s21  }
0x64: {  	[sflag:s19] =	ssyncadd.s32 $0xFFFFFFB0;
	s24 =	smov.u32 s22;
	s25 =	sadd.s32 $0x640, s22  }
0x65: {  	[spmem:s2] =	stream.indirect.scatter.add.f32 [tilespmem:s11], [sflag:$0x1], $0x1, s23, s10, $0xb8;
	[tilespmem:$0x2C60] =	vst v63  }
0x66: {  	p0 =	sne.s32 s22, $0xFFFFF9C0;
	_ =	swait.ge [sflag:s15], $0x50  }
0x67: {  	[sflag:s15] =	ssyncset.done $0x0  }
0x68: {  	s22 =	sadd.s32 $0x2760, s21;
	[sflag:s15] =	ssyncadd.s32 $0xFFFFFFB0  }
0x69: {  	[spmem:s2] =	stream.indirect.scatter.add.f32 [tilespmem:s11], [sflag:$0x2], $0x1, s22, s10, $0xb8;
	[tilespmem:$0x2C60] =	vst v63  }
0x6a: {  	_ =	swait.ge [sflag:s16], $0x50  }
0x6b: {  	[sflag:s16] =	ssyncset.done $0x0  }
0x6c: {  	s22 =	sadd.s32 $0x27B0, s21;
	[sflag:s16] =	ssyncadd.s32 $0xFFFFFFB0  }
0x6d: {  	[spmem:s2] =	stream.indirect.scatter.add.f32 [tilespmem:s11], [sflag:$0x3], $0x1, s22, s10, $0xb8;
	[tilespmem:$0x2C60] =	vst v63  }
0x6e: {  	_ =	swait.ge [sflag:s17], $0x50  }
0x6f: {  	[sflag:s17] =	ssyncset.done $0x0  }
0x70: {  	s22 =	sadd.s32 $0x2800, s21;
	[sflag:s17] =	ssyncadd.s32 $0xFFFFFFB0  }
0x71: {  	[spmem:s2] =	stream.indirect.scatter.add.f32 [tilespmem:s11], [sflag:$0x4], $0x1, s22, s10, $0xb8;
	[tilespmem:$0x2C60] =	vst v63  }
0x72: {  	_ =	swait.ge [sflag:s18], $0x50  }
.Ltmp0:
0x73: {  	[sflag:s18] =	ssyncset.done $0x0;
	(pc) =	sbr.rel @p0 .LBB2_2-.Ltmp0, $4  }
0x74: {  	s21 =	sadd.s32 $0x2850, s21;
	[sflag:s18] =	ssyncadd.s32 $0xFFFFFFB0  }
0x75: {  	[spmem:s2] =	stream.indirect.scatter.add.f32 [tilespmem:s11], [sflag:$0x5], $0x1, s21, s10, $0xb8;
	[tilespmem:$0x2C60] =	vst v63  }
0x76: {  	_ =	swait.ge [sflag:s19], $0x50  }
0x77: {  	s22 =	smov.u32 s25;
	s21 =	sshra.s32 s24, $0x2;
	[sflag:s19] =	ssyncset.done $0x0  }
0x78: {  	s22 =	sadd.s32 $0x2710, s21;
	[sflag:s19] =	ssyncadd.s32 $0xFFFFFFB0  }
0x79: {  	[spmem:s2] =	stream.indirect.scatter.add.f32 [tilespmem:s11], [sflag:$0x1], $0x1, s22, s10, $0xb8;
	[tilespmem:$0x2C60] =	vst v63  }
0x7a: {  	_ =	swait.ge [sflag:s15], $0x50  }
0x7b: {  	[sflag:s15] =	ssyncset.done $0x0  }
0x7c: {  	s28 =	sadd.s32 $0x2760, s21;
	[sflag:s15] =	ssyncadd.s32 $0xFFFFFFB0  }
0x7d: {  	[spmem:s2] =	stream.indirect.scatter.add.f32 [tilespmem:s11], [sflag:$0x2], $0x1, s28, s10, $0xb8;
	[tilespmem:$0x2C60] =	vst v63  }
0x7e: {  	_ =	swait.ge [sflag:s16], $0x50  }
0x7f: {  	[sflag:s16] =	ssyncset.done $0x0  }
0x80: {  	s29 =	sadd.s32 $0x27B0, s21;
	[sflag:s16] =	ssyncadd.s32 $0xFFFFFFB0  }
0x81: {  	[spmem:s2] =	stream.indirect.scatter.add.f32 [tilespmem:s11], [sflag:$0x3], $0x1, s29, s10, $0xb8;
	[tilespmem:$0x2C60] =	vst v63  }
0x82: {  	_ =	swait.ge [sflag:s17], $0x50  }
0x83: {  	[sflag:s17] =	ssyncset.done $0x0  }
0x84: {  	s30 =	sadd.s32 $0x2800, s21;
	[sflag:s17] =	ssyncadd.s32 $0xFFFFFFB0  }
0x85: {  	[spmem:s2] =	stream.indirect.scatter.add.f32 [tilespmem:s11], [sflag:$0x4], $0x1, s30, s10, $0xb8;
	[tilespmem:$0x2C60] =	vst v63  }
0x86: {  	_ =	swait.ge [sflag:s18], $0x50  }
0x87: {  	[sflag:s18] =	ssyncset.done $0x0  }
0x88: {  	s31 =	sadd.s32 $0x2850, s21;
	[sflag:s18] =	ssyncadd.s32 $0xFFFFFFB0  }
0x89: {  	[spmem:s2] =	stream.indirect.scatter.add.f32 [tilespmem:s11], [sflag:$0x5], $0x1, s31, s10, $0xb8;
	[tilespmem:$0x2C60] =	vst v63  }
0x8a: {  	_ =	swait.ge [sflag:s19], $0x50  }
0x8b: {  	[sflag:s19] =	ssyncset.done $0x0  }
0x8c: {  	[sflag:s19] =	ssyncadd.s32 $0xFFFFFFB0  }
0x8d: {  	_ =	swait.ge [sflag:s15], $0x50  }
0x8e: {  	[sflag:s15] =	ssyncset.done $0x0  }
0x8f: {  	[sflag:s15] =	ssyncadd.s32 $0xFFFFFFB0  }
0x90: {  	_ =	swait.ge [sflag:s16], $0x50  }
0x91: {  	[sflag:s16] =	ssyncset.done $0x0  }
0x92: {  	[sflag:s16] =	ssyncadd.s32 $0xFFFFFFB0  }
0x93: {  	_ =	swait.ge [sflag:s17], $0x50  }
0x94: {  	[sflag:s17] =	ssyncset.done $0x0  }
0x95: {  	[sflag:s17] =	ssyncadd.s32 $0xFFFFFFB0  }
0x96: {  	_ =	swait.ge [sflag:s18], $0x50  }
0x97: {  	[sflag:s18] =	ssyncset.done $0x0  }
0x98: {  	[sflag:s18] =	ssyncadd.s32 $0xFFFFFFB0  }
0x99: {  	_ =	swait.ge [sflag:s19], $0x50  }
0x9a: {  	[sflag:s19] =	ssyncset.done $0x0  }
0x9b: {  	[sflag:s19] =	ssyncadd.s32 $0xFFFFFFB0  }
0x9c: {  	[bflag:$0x0] =	sbarrier.arrive $0xFFFF  }
0x9d: {  	[tilespmem:s8], [sflag:$0x6] =	stream.linear.gather [spmem:s4], $0x280, $0x38;
	[tilespmem:$0x2C60] =	vst v63  }
0x9e: {  	s20 =	sadd.s32 $0x1, s20;
	_ =	swait.ge [sflag:s9], $0x280  }
0x9f: {  	p0 =	sne.s32 s20, s7;
	[sflag:s9] =	ssyncset.done $0x0  }
.Ltmp1:
0xa0: {  	[sflag:s9] =	ssyncadd.s32 $0xFFFFFD80;
	(pc) =	sbr.rel @p0 .LBB2_1-.Ltmp1, $4  }
0xa1: {  	[hbm4b:s6+s3] =	stream.linear.scatter [tilespmem:s8], [sflag:$0x6], $0x280, $0x38;
	[tilespmem:$0x2C60] =	vst v63  }
0xa2: {  	_ =	swait.ge [sflag:s9], $0x280  }
0xa3: {  	[sflag:s9] =	ssyncset.done $0x0  }
0xa4: {  	[sflag:s9] =	ssyncadd.s32 $0xFFFFFD80  }
0xa5: {  	_ =	sfence.sel $0x180000  }
0xa6: {  	[bflag:$0x0] =	sbarrier.arrive $0xFFFF  }
0xa7: {  	p0 =	sne.s32 s1, $0x0;
	_ =	strace $0x90000047  }
0xa8: {  	s0 =	sadd.s32 @!p0 $0x100000, s0;
	[bflag:$0x2] =	sbarrier.arrive $0xFFFF  }
0xa9: {  	[sflag:s0] =	ssyncadd.tile.s32 @!p0 $0x1;
	_ =	shalt  }
.Lfunc_end2:
_tile_overlayer_lowered:
.L_overlay_start_2:
0xaa: {  	(tag) =	ssettag $0x2  }
0xab: {  	s0 =	rddreg [dreg:$0x0];
	s2 =	stileid.u32  }
0xac: {  	s1 =	rddreg [dreg:$0x1];
	p0 =	sne.s32 s2, $0x0  }
0xad: {  	s3 =	rddreg [dreg:$0x2];
	[bflag:$0x3] =	sbarrier.arrive $0xFFFF;
	s2 =	simm.s32 @!p0 $0x1C06  }
0xae: {  	[timem:s3], [sflag:s2] =	dma.local @!p0 [hbm:s0], s1  }
0xaf: {  	s0 =	simm.s32 @!p0 $0x6  }
0xb0: {  	_ =	swait.ge @!p0 [sflag:s0], s1  }
0xb1: {  	s1 =	ssub.s32 @!p0 $0x0, s1;
	[sflag:s0] =	ssyncset.done @!p0 $0x0  }
0xb2: {  	[sflag:s0] =	ssyncadd.s32 @!p0 s1  }
0xb3: {  	[bflag:$0x3] =	sbarrier.arrive $0xFFFF  }
0xb4: {  	_ =	shalt  }

// kernel: kernel.9.cloned.1.call-start
scs
__scs_entry_jumppad:
0x0: {  	(pc) =	sbr.rel $0x88, $3  }
0x1: {  	(tag) =	ssettag $0x0;
	lr =	simm.s32 $0x1  }
0x2: {  	[smem:$0x3F95] =	sst lr;
	_ =	strace $0xD0000000  }
0x3: {  	_ = 	snop  }
0x4: {  	_ = 	snop  }
0x5: {  	_ = 	snop  }
0x6: {  	_ = 	snop  }
0x7: {  	_ = 	snop  }
__scs_overlays_trampoline_lowered:
0x8: {  	[smem:$0x3FA4] =	sst s0  }
0x9: {  	[smem:$0x3FA5] =	sst s1  }
0xa: {  	[smem:$0x3FA6] =	sst s2  }
0xb: {  	[smem:$0x3FA7] =	sst s3  }
0xc: {  	[smem:$0x3FA8] =	sst s4  }
0xd: {  	[smem:$0x3FA9] =	sst s5  }
0xe: {  	[smem:$0x3FAA] =	sst s6  }
0xf: {  	[smem:$0x3FAB] =	sst s7  }
0x10: {  	[smem:$0x3FAC] =	sst s8  }
0x11: {  	[smem:$0x3FAD] =	sst s9;
	s0 =	simm.s32 @!p0 $0x0  }
0x12: {  	s1 =	sld [smem:$0x3F93];
	s0 =	simm.s32 @p0 $0x1  }
0x13: {  	[smem:$0x3FAE] =	sst s0;
	s0 =	simm.s32 @!p1 $0x0  }
0x14: {  	s2 =	sld [smem:$0x3F92];
	s0 =	simm.s32 @p1 $0x1  }
0x15: {  	[smem:$0x3FAF] =	sst s0;
	s0 =	simm.s32 @!p2 $0x0  }
0x16: {  	s3 =	sld [smem:$0x3FDB];
	s0 =	simm.s32 @p2 $0x1  }
0x17: {  	s4 =	simm.s32 $0x1BF5;
	[smem:$0x3FB1] =	sst s0  }
0x18: {  	s0 =	sld [smem:$0x3F94];
	_ =	swait.ge [sflag:s4], $0x0  }
0x19: {  	s7 =	sld [smem:$0x3F95]  }
0x1a: {  	s8 =	sadd.s32 $0xFFFFE003, lr  }
0x1b: {  	s9 =	sadd.s32 $0xFFFFFEF7, lr;
	s5 =	simm.s32 $0xFFFFFFFF;
	p2 =	slt.u32 s8, $0xFFFFF086  }
0x1c: {  	p1 =	slt.u32 s9, $0xF7A;
	s5 =	simm.s32 @!p2 $0x0  }
0x1d: {  	s5 =	simm.s32 @p1 $0x1;
	p0 =	seq.s32 s7, s2  }
0x1e: {  	s7 =	smul.u32 @!p0 $0xF7A, s2;
	p2 =	seq.s32 @!p0 s5, $0x0  }
0x1f: {  	s9 =	smul.u32 $0xF7A, s1;
	s8 =	simm.s32 @!p0 $0x1BF5;
	p2 =	por !p2, p0  }
0x20: {  	[sflag:s8] =	ssyncset.s32 @!p0 $0xFFFFF086;
	s6 =	sadd.s32 @!p0 s3, s7;
	s7 =	simm.s32 @!p0 $0x108  }
0x21: {  	s3 =	sadd.s32 s3, s9;
	s6 =	sadd.s32 @!p0 $0x88, s6;
	s7 =	simm.s32 @p2 $0x1082  }
0x22: {  	[simem:s7], [sflag:s8] =	dma.local @!p0 [hbm:s6], $0xF7A  }
0x23: {  	s9 =	sor.u32 $0xD0000000, s2;
	s6 =	simm.s32 $0x108;
	_ =	swait.ge @!p0 [sflag:s8], $0x0  }
0x24: {  	s3 =	sadd.s32 $0x88, s3;
	s6 =	simm.s32 @!p1 $0x1082;
	[sflag:s4] =	ssyncset.s32 $0xFFFFF086  }
0x25: {  	[simem:s6], [sflag:s4] =	dma.local [hbm:s3], $0xF7A  }
0x26: {  	[smem:$0x3F95] =	sst s1;
	(tag) =	ssettag s2;
	_ =	strace s9  }
0x27: {  	s1 =	sld [smem:$0x3FA5]  }
0x28: {  	s2 =	sld [smem:$0x3FA6]  }
0x29: {  	s4 =	sld [smem:$0x3FA8]  }
0x2a: {  	p0 =	seq.s32 s5, $0x0;
	s5 =	sld [smem:$0x3FA9]  }
0x2b: {  	s6 =	sld [smem:$0x3FAA]  }
0x2c: {  	s7 =	sld [smem:$0x3FAB]  }
0x2d: {  	s3 =	simm.s32 $0x108;
	s8 =	sld [smem:$0x3FAC]  }
0x2e: {  	s3 =	simm.s32 @!p0 $0x1082;
	s9 =	sld [smem:$0x3FAD]  }
0x2f: {  	lr =	sadd.s32 s0, s3;
	s0 =	sld [smem:$0x3FA4]  }
0x30: {  	s3 =	sld [smem:$0x3FA7]  }
0x31: {  	[smem:$0x3FB0] =	sst s10  }
0x32: {  	s10 =	sld [smem:$0x3FAE];
	_ =	sdelay $0x3  }
0x33: {  	p0 =	seq.s32 s10, $0x1;
	s10 =	sld [smem:$0x3FB0];
	_ =	sdelay $0x3  }
0x34: {  	[smem:$0x3FB0] =	sst s10  }
0x35: {  	s10 =	sld [smem:$0x3FAF];
	_ =	sdelay $0x3  }
0x36: {  	p1 =	seq.s32 s10, $0x1;
	s10 =	sld [smem:$0x3FB0];
	_ =	sdelay $0x3  }
0x37: {  	[smem:$0x3FB0] =	sst s10  }
0x38: {  	s10 =	sld [smem:$0x3FB1]  }
0x39: {  	_ = 	snop;
	(pc) =	sbr.ind lr, $3  }
0x3a: {  	_ = 	snop  }
0x3b: {  	_ = 	snop  }
0x3c: {  	p2 =	seq.s32 s10, $0x1;
	s10 =	sld [smem:$0x3FB0]  }
0x3d: {  	_ =	shalt  }
0x3e: {  	_ =	shalt  }
0x3f: {  	_ =	shalt  }
0x40: {  	_ =	shalt  }
0x41: {  	_ =	shalt  }
0x42: {  	_ =	shalt  }
0x43: {  	_ =	shalt  }
0x44: {  	_ =	shalt  }
0x45: {  	_ =	shalt  }
0x46: {  	_ =	shalt  }
0x47: {  	_ =	shalt  }
0x48: {  	_ =	shalt  }
0x49: {  	_ =	shalt  }
0x4a: {  	_ =	shalt  }
0x4b: {  	_ =	shalt  }
0x4c: {  	_ =	shalt  }
0x4d: {  	_ =	shalt  }
0x4e: {  	_ =	shalt  }
0x4f: {  	_ =	shalt  }
0x50: {  	_ =	shalt  }
0x51: {  	_ =	shalt  }
0x52: {  	_ =	shalt  }
0x53: {  	_ =	shalt  }
0x54: {  	_ =	shalt  }
0x55: {  	_ =	shalt  }
0x56: {  	_ =	shalt  }
0x57: {  	_ =	shalt  }
0x58: {  	_ =	shalt  }
0x59: {  	_ =	shalt  }
0x5a: {  	_ =	shalt  }
0x5b: {  	_ =	shalt  }
0x5c: {  	_ =	shalt  }
0x5d: {  	_ =	shalt  }
0x5e: {  	_ =	shalt  }
0x5f: {  	_ =	shalt  }
0x60: {  	_ =	shalt  }
0x61: {  	_ =	shalt  }
0x62: {  	_ =	shalt  }
0x63: {  	_ =	shalt  }
0x64: {  	_ =	shalt  }
0x65: {  	_ =	shalt  }
0x66: {  	_ =	shalt  }
0x67: {  	_ =	shalt  }
0x68: {  	_ =	shalt  }
0x69: {  	_ =	shalt  }
0x6a: {  	_ =	shalt  }
0x6b: {  	_ =	shalt  }
0x6c: {  	_ =	shalt  }
0x6d: {  	_ =	shalt  }
0x6e: {  	_ =	shalt  }
0x6f: {  	_ =	shalt  }
0x70: {  	_ =	shalt  }
0x71: {  	_ =	shalt  }
0x72: {  	_ =	shalt  }
0x73: {  	_ =	shalt  }
0x74: {  	_ =	shalt  }
0x75: {  	_ =	shalt  }
0x76: {  	_ =	shalt  }
0x77: {  	_ =	shalt  }
0x78: {  	_ =	shalt  }
0x79: {  	_ =	shalt  }
0x7a: {  	_ =	shalt  }
0x7b: {  	_ =	shalt  }
0x7c: {  	_ =	shalt  }
0x7d: {  	_ =	shalt  }
0x7e: {  	_ =	shalt  }
0x7f: {  	_ =	shalt  }
0x80: {  	_ =	shalt  }
0x81: {  	_ =	shalt  }
0x82: {  	_ =	shalt  }
0x83: {  	_ =	shalt  }
0x84: {  	_ =	shalt  }
0x85: {  	_ =	shalt  }
0x86: {  	_ =	shalt  }
0x87: {  	_ =	shalt  }
.Lfunc_end0:
.L_simem_size_0:
called_computation.1_lowered:
.L_overlay_start_0:
0x88: {  	s2 =	sld [smem:$0x3FD9]  }
0x89: {  	s3 =	sld [smem:$0x3FFE];
	_ =	sdelay $0x1  }
0x8a: {  	s1 =	srdreg.scid  }
0x8b: {  	s0 =	sand.u32 $0x1, s1  }
0x8c: {  	s16 =	sshll.u32 s0, $0xA;
	s2 =	sadd.s32 s3, s2  }
0x8d: {  	s2 =	sadd.s32 s2, s16  }
0x8e: {  	[smem:$0x3FBC] =	sst s2  }
0x8f: {  	_ = 	snop  }
0x90: {  	(tm) =	ssettm $0x1  }
0x91: {  	s17 =	sld [smem:$0x3FFB];
	_ =	sdelay $0x3  }
0x92: {  	_ =	strace s17  }
0x93: {  	s2 =	sld [smem:$0x3FFC];
	_ =	sdelay $0x3  }
0x94: {  	_ =	strace s2  }
0x95: {  	s2 =	sld [smem:$0x3FFD];
	_ =	sdelay $0x3  }
0x96: {  	_ =	strace s2  }
0x97: {  	_ =	strace $0x8FFFFFFF  }
0x98: {  	s18 =	sld [smem:$0x3FDB];
	_ =	sdelay $0x1  }
0x99: {  	s19 =	simm.s32 $_scs_section_size  }
0x9a: {  	s4 =	simm.s32 $_size__tile_overlayer_lowered;
	s5 =	simm.s32 $_tile_overlayer_lowered  }
0x9b: {  	s22 =	simm.s32 $0x1BFF;
	s21 =	sshll.u32 s5, $0x1;
	s2 =	sadd.s32 s19, s18  }
0x9c: {  	s6 =	simm.s32 $0x0;
	s20 =	sshll.u32 s4, $0x1;
	s4 =	sadd.s32 s21, s2  }
0x9d: {  	[timem:s6], [sflag:s22] =	dma.local [hbm:s4], s20  }
0x9e: {  	_ =	swait.ge [sflag:s22], s20  }
0x9f: {  	s3 =	ssub.s32 $0x0, s20;
	[sflag:s22] =	ssyncset.done $0x0  }
0xa0: {  	[sflag:s22] =	ssyncadd.s32 s3;
	_ =	sdelay $0x1  }
0xa1: {  	s23 =	simm.s32 $0x1B8B  }
0xa2: {  	_ =	swait.ge [sflag:s23], $0x1  }
0xa3: {  	[sflag:s23] =	ssyncset.done $0x0  }
0xa4: {  	s25 =	simm.s32 $0x1B8E;
	s24 =	sld [smem:$0x3FFE];
	[sflag:s23] =	ssyncadd.s32 $0xFFFFFFFF  }
0xa5: {  	s26 =	simm.s32 $execute0_lowered;
	[smem:$0x3FD2] =	sst s25  }
0xa6: {  	s4 =	sshll.u32 s26, $0x1;
	_ =	strace $0x80000049;
	[dreg:$0x1] =	wrdreg $0xFFFFFFFF  }
0xa7: {  	s28 =	simm.s32 $_size_execute0_lowered;
	s2 =	sadd.s32 s2, s4;
	[dreg:$0x0] =	wrdreg $0x0  }
0xa8: {  	s4 =	sshll.u32 s28, $0x1;
	[dreg:$0x2] =	wrdreg s2  }
0xa9: {  	[dreg:$0x3] =	wrdreg s4  }
0xaa: {  	[dreg:$0x4] =	wrdreg $0xC0  }
0xab: {  	_ =	task [dreg:s6], $0x5FFFF  }
0xac: {  	[dreg:$0x1] =	wrdreg $0xFFFFFFFF  }
0xad: {  	[dreg:$0x0] =	wrdreg $0x60  }
0xae: {  	[dreg:$0x2] =	wrdreg s24  }
0xaf: {  	[dreg:$0x3] =	wrdreg $0xD0200  }
0xb0: {  	[dreg:$0x4] =	wrdreg $0x9  }
0xb1: {  	_ =	task.clear_ibuf [dreg:s6], $0x5FFFF;
	_ =	strace $0x90000049  }
0xb2: {  	s29 =	simm.s32 $0x9;
	_ =	strace $0x8000004B  }
0xb3: {  	_ =	swait.ge [sflag:s29], $0x1  }
0xb4: {  	[sflag:s29] =	ssyncadd.s32 $0xFFFFFFFF  }
0xb5: {  	_ =	strace $0x9000004B  }
0xb6: {  	_ =	sfence  }
0xb7: {  	s30 =	sld [smem:$0x0];
	_ =	sdelay $0x2  }
0xb8: {  	s31 =	sshll.u32 s1, $0xD;
	s1 =	sshrl.u32 s1, $0x2  }
0xb9: {  	s3 =	sand.u32 $0x4000, s31;
	s1 =	sadd.s32 s1, s30  }
0xba: {  	s0 =	sor.u32 s3, s0;
	s1 =	sshll.u32 s1, $0x11  }
0xbb: {  	s0 =	sor.u32 s1, s0  }
0xbc: {  	s0 =	sadd.s32 $0x8F2B, s0  }
0xbd: {  	[sflag:s0] =	ssyncadd.remote.s32 $0x1  }
0xbe: {  	_ =	sfence.sel $0xFFFF  }
0xbf: {  	[dreg:$0x0] =	wrdreg $0xFFFFFFFF;
	(pc) =	sbr.abs _section_cstart, $3  }
0xc0: {  	[dreg:$0x1] =	wrdreg $0xFFFFFFFF  }
0xc1: {  	_ =	task.clear_ibuf [dreg:s6], $0x2FFFF;
	_ =	strace $0x9FFFFFFF  }
0xc2: {  	(tm) =	ssettm $0x7FFFFFFF  }
0xc3: {  	_ =	shalt  }
tec
execute0_lowered:
.L_overlay_start_1:
0x0: {  	(tag) =	ssettag $0x1  }
0x1: {  	s0 =	rddreg [dreg:$0x0]  }
0x2: {  	s2 =	rddreg [dreg:$0x1];
	s6 =	simm.s32 $0x0  }
0x3: {  	s1 =	srdreg.scid;
	s4 =	stileid.u32;
	s10 =	simm.s32 $0x8020  }
0x4: {  	s11 =	simm.s32 $0xB;
	s13 =	simm.s32 $0x50;
	s14 =	simm.s32 $0x4E20  }
0x5: {  	s15 =	simm.s32 $0x5820;
	s17 =	simm.s32 $0x6220;
	s19 =	simm.s32 $0x6C20  }
0x6: {  	s21 =	simm.s32 $0x7620;
	s22 =	simm.s32 $0x1;
	s23 =	simm.s32 $0x2  }
0x7: {  	s24 =	simm.s32 $0x3;
	s25 =	simm.s32 $0x4;
	s28 =	simm.s32 $0x6  }
0x8: {  	s29 =	simm.s32 $0x7;
	s30 =	simm.s32 $0x8;
	s31 =	simm.s32 $0x9  }
0x9: {  	s16 =	simm.s32 $0x4D80;
	s18 =	simm.s32 $0x4DD0;
	s20 =	simm.s32 $0x0  }
0xa: {  	s1 =	sand.u32 $0x1, s1;
	s3 =	sshll.u32 s4, $0x1;
	s5 =	smul.u32 $0x5000, s4  }
0xb: {  	[smem:$0x7FF] =	sst s6;
	s3 =	sor.u32 s1, s3;
	s26 =	smul.u32 $0x50000, s1  }
0xc: {  	s4 =	sadd.s32 $0x15C00, s0;
	s1 =	ssub.s32 $0x2, s1;
	s3 =	smul.u32 $0x2710, s3  }
0xd: {  	_ =	strace $0x8000004A;
	s7 =	sshrl.u32 s1, $0x1;
	s6 =	sadd.s32 s5, s26  }
0xe: {  	s1 =	ssub.s32 s1, s7;
	s5 =	sadd.s32 s5, s2;
	s3 =	sshrl.u32 s3, $0x3  }
0xf: {  	s26 =	simm.s32 $0x5;
	s6 =	sshrl.u32 s6, $0x3;
	s3 =	sadd.s32 s3, s0  }
0x10: {  	s9 =	smax.u32 s1, $0x1;
	s0 =	sadd.s32 s6, s0;
	s6 =	sadd.s32 $0x2200, s3  }
0x11: {  	v0 =	vimm.f32 $0.0e+00;
	s7 =	sadd.s32 $0xBE40, s3;
	s8 =	sadd.s32 $0x1FA00, s0;
	s0 =	simm.s32 $0xA  }
.LBB2_1:
0x12: {  	s1 =	simm.s32 $0x80;
	s3 =	simm.s32 $0x0  }
.LBB2_2:
0x13: {  	p0 =	sne.s32 s1, $0x13F80;
	[tilespmem:s3+$0x8020] =	vst v0;
	s12 =	smov.u32 s1;
	s1 =	sadd.s32 $0x80, s1  }
.Ltmp0:
0x14: {  	[tilespmem:s3+$0x8030] =	vst v0;
	(pc) =	sbr.rel @p0 .LBB2_2-.Ltmp0, $2  }
0x15: {  	_ =	sdelay $0x2  }
0x16: {  	s3 =	sshra.s32 s12, $0x2  }
0x17: {  	[tilespmem:s3+$0x8020] =	vst v0  }
0x18: {  	[tilespmem:s3+$0x8030] =	vst v0  }
0x19: {  	[spmem:s5] =	stream.linear.scatter [tilespmem:s10], [sflag:$0xB], $0x5000, $0x38;
	[tilespmem:$0x12020] =	vst v63  }
0x1a: {  	_ =	swait.ge [sflag:s11], $0x5000  }
0x1b: {  	[sflag:s11] =	ssyncset.done $0x0  }
0x1c: {  	s1 =	simm.s32 $0x0;
	[sflag:s11] =	ssyncadd.s32 $0xFFFFB000  }
0x1d: {  	[tilespmem:s1], [sflag:$0xB] =	stream.linear.gather [hbm4b:s6+s1], $0x2710, $0x38;
	[tilespmem:$0x12020] =	vst v63  }
0x1e: {  	_ =	swait.ge [sflag:s11], $0x2710  }
0x1f: {  	[sflag:s11] =	ssyncset.done $0x0  }
0x20: {  	s12 =	simm.s32 $0x2710;
	[sflag:s11] =	ssyncadd.s32 $0xFFFFD8F0  }
0x21: {  	[tilespmem:s12], [sflag:$0xB] =	stream.linear.gather [hbm4b:s7+s1], $0x2710, $0x38;
	[tilespmem:$0x12020] =	vst v63  }
0x22: {  	_ =	swait.ge [sflag:s11], $0x2710  }
0x23: {  	[sflag:s11] =	ssyncset.done $0x0  }
0x24: {  	[sflag:s11] =	ssyncadd.s32 $0xFFFFD8F0  }
0x25: {  	[bflag:$0x0] =	sbarrier.arrive $0xFFFF  }
0x26: {  	[tilespmem:s14], [sflag:$0x1] =	stream.indirect.gather [hbm4b:s4+s13], $0x20, s1, s13, $0xb8;
	[tilespmem:$0x12020] =	vst v63  }
0x27: {  	_ = 	snop  }
0x28: {  	[tilespmem:s15], [sflag:$0x2] =	stream.indirect.gather [hbm4b:s4+s13], $0x20, s13, s13, $0xb8;
	[tilespmem:$0x12020] =	vst v63  }
0x29: {  	s3 =	simm.s32 $0xA0  }
0x2a: {  	[tilespmem:s17], [sflag:$0x3] =	stream.indirect.gather [hbm4b:s4+s13], $0x20, s3, s13, $0xb8;
	[tilespmem:$0x12020] =	vst v63  }
0x2b: {  	s12 =	simm.s32 $0xF0  }
0x2c: {  	[tilespmem:s19], [sflag:$0x4] =	stream.indirect.gather [hbm4b:s4+s13], $0x20, s12, s13, $0xb8;
	[tilespmem:$0x12020] =	vst v63  }
0x2d: {  	s3 =	simm.s32 $0x140  }
0x2e: {  	[tilespmem:s21], [sflag:$0x5] =	stream.indirect.gather [hbm4b:s4+s13], $0x20, s3, s13, $0xb8;
	[tilespmem:$0x12020] =	vst v63  }
0x2f: {  	_ =	swait.ge [sflag:s22], $0xA00  }
0x30: {  	[sflag:s22] =	ssyncset.done $0x0  }
0x31: {  	s12 =	simm.s32 $0x2710;
	[sflag:s22] =	ssyncadd.s32 $0xFFFFF600  }
0x32: {  	[spmem:s2] =	stream.indirect.scatter.add.f32 [tilespmem:s14], [sflag:$0x6], $0x20, s12, s13, $0xb8;
	[tilespmem:$0x12020] =	vst v63  }
0x33: {  	_ =	swait.ge [sflag:s23], $0xA00  }
0x34: {  	[sflag:s23] =	ssyncset.done $0x0  }
0x35: {  	s3 =	simm.s32 $0x2760;
	[sflag:s23] =	ssyncadd.s32 $0xFFFFF600  }
0x36: {  	[spmem:s2] =	stream.indirect.scatter.add.f32 [tilespmem:s15], [sflag:$0x7], $0x20, s3, s13, $0xb8;
	[tilespmem:$0x12020] =	vst v63  }
0x37: {  	_ =	swait.ge [sflag:s24], $0xA00  }
0x38: {  	[sflag:s24] =	ssyncset.done $0x0  }
0x39: {  	s12 =	simm.s32 $0x27B0;
	[sflag:s24] =	ssyncadd.s32 $0xFFFFF600  }
0x3a: {  	[spmem:s2] =	stream.indirect.scatter.add.f32 [tilespmem:s17], [sflag:$0x8], $0x20, s12, s13, $0xb8;
	[tilespmem:$0x12020] =	vst v63  }
0x3b: {  	_ =	swait.ge [sflag:s25], $0xA00  }
0x3c: {  	[sflag:s25] =	ssyncset.done $0x0  }
0x3d: {  	s3 =	simm.s32 $0x2800;
	[sflag:s25] =	ssyncadd.s32 $0xFFFFF600  }
0x3e: {  	[spmem:s2] =	stream.indirect.scatter.add.f32 [tilespmem:s19], [sflag:$0x9], $0x20, s3, s13, $0xb8;
	[tilespmem:$0x12020] =	vst v63  }
0x3f: {  	_ =	swait.ge [sflag:s26], $0xA00  }
0x40: {  	[sflag:s26] =	ssyncset.done $0x0  }
0x41: {  	s12 =	simm.s32 $0x2850;
	[sflag:s26] =	ssyncadd.s32 $0xFFFFF600  }
0x42: {  	[spmem:s2] =	stream.indirect.scatter.add.f32 [tilespmem:s21], [sflag:$0xA], $0x20, s12, s13, $0xb8;
	[tilespmem:$0x12020] =	vst v63  }
0x43: {  	_ =	swait.ge [sflag:s28], $0xA00  }
0x44: {  	[sflag:s28] =	ssyncset.done $0x0  }
0x45: {  	s3 =	simm.s32 $0x190;
	[sflag:s28] =	ssyncadd.s32 $0xFFFFF600  }
0x46: {  	[tilespmem:s14], [sflag:$0x1] =	stream.indirect.gather [hbm4b:s4+s13], $0x20, s3, s13, $0xb8;
	[tilespmem:$0x12020] =	vst v63  }
0x47: {  	_ =	swait.ge [sflag:s29], $0xA00  }
0x48: {  	[sflag:s29] =	ssyncset.done $0x0  }
0x49: {  	s12 =	simm.s32 $0x1E0;
	[sflag:s29] =	ssyncadd.s32 $0xFFFFF600  }
0x4a: {  	[tilespmem:s15], [sflag:$0x2] =	stream.indirect.gather [hbm4b:s4+s13], $0x20, s12, s13, $0xb8;
	[tilespmem:$0x12020] =	vst v63  }
0x4b: {  	_ =	swait.ge [sflag:s30], $0xA00  }
0x4c: {  	[sflag:s30] =	ssyncset.done $0x0  }
0x4d: {  	s3 =	simm.s32 $0x230;
	[sflag:s30] =	ssyncadd.s32 $0xFFFFF600  }
0x4e: {  	[tilespmem:s17], [sflag:$0x3] =	stream.indirect.gather [hbm4b:s4+s13], $0x20, s3, s13, $0xb8;
	[tilespmem:$0x12020] =	vst v63  }
0x4f: {  	_ =	swait.ge [sflag:s31], $0xA00  }
0x50: {  	[sflag:s31] =	ssyncset.done $0x0  }
0x51: {  	s12 =	simm.s32 $0x280;
	[sflag:s31] =	ssyncadd.s32 $0xFFFFF600  }
0x52: {  	[tilespmem:s19], [sflag:$0x4] =	stream.indirect.gather [hbm4b:s4+s13], $0x20, s12, s13, $0xb8;
	[tilespmem:$0x12020] =	vst v63  }
0x53: {  	_ =	swait.ge [sflag:s0], $0xA00  }
0x54: {  	[sflag:s0] =	ssyncset.done $0x0  }
0x55: {  	s1 =	simm.s32 $0x640;
	s3 =	simm.s32 $0x2D0;
	[sflag:s0] =	ssyncadd.s32 $0xFFFFF600  }
.LBB2_4:
0x56: {  	[tilespmem:s21], [sflag:$0x5] =	stream.indirect.gather [hbm4b:s4+s13], $0x20, s3, s13, $0xb8;
	[tilespmem:$0x12020] =	vst v63  }
0x57: {  	s3 =	smov.u32 s1  }
0x58: {  	p0 =	sne.s32 s1, $0x8FC0;
	s1 =	sadd.s32 $0x640, s1;
	_ =	swait.ge [sflag:s22], $0xA00  }
0x59: {  	s3 =	sshra.s32 s3, $0x2;
	[sflag:s22] =	ssyncset.done $0x0  }
0x5a: {  	s12 =	sadd.s32 $0x2710, s3;
	[sflag:s22] =	ssyncadd.s32 $0xFFFFF600  }
0x5b: {  	[spmem:s2] =	stream.indirect.scatter.add.f32 [tilespmem:s14], [sflag:$0x6], $0x20, s12, s13, $0xb8;
	[tilespmem:$0x12020] =	vst v63  }
0x5c: {  	_ =	swait.ge [sflag:s23], $0xA00  }
0x5d: {  	[sflag:s23] =	ssyncset.done $0x0  }
0x5e: {  	s12 =	sadd.s32 $0x2760, s3;
	[sflag:s23] =	ssyncadd.s32 $0xFFFFF600  }
0x5f: {  	[spmem:s2] =	stream.indirect.scatter.add.f32 [tilespmem:s15], [sflag:$0x7], $0x20, s12, s13, $0xb8;
	[tilespmem:$0x12020] =	vst v63  }
0x60: {  	_ =	swait.ge [sflag:s24], $0xA00  }
0x61: {  	[sflag:s24] =	ssyncset.done $0x0  }
0x62: {  	s12 =	sadd.s32 $0x27B0, s3;
	[sflag:s24] =	ssyncadd.s32 $0xFFFFF600  }
0x63: {  	[spmem:s2] =	stream.indirect.scatter.add.f32 [tilespmem:s17], [sflag:$0x8], $0x20, s12, s13, $0xb8;
	[tilespmem:$0x12020] =	vst v63  }
0x64: {  	_ =	swait.ge [sflag:s25], $0xA00  }
0x65: {  	[sflag:s25] =	ssyncset.done $0x0  }
0x66: {  	s12 =	sadd.s32 $0x2800, s3;
	[sflag:s25] =	ssyncadd.s32 $0xFFFFF600  }
0x67: {  	[spmem:s2] =	stream.indirect.scatter.add.f32 [tilespmem:s19], [sflag:$0x9], $0x20, s12, s13, $0xb8;
	[tilespmem:$0x12020] =	vst v63  }
0x68: {  	_ =	swait.ge [sflag:s26], $0xA00  }
0x69: {  	[sflag:s26] =	ssyncset.done $0x0  }
0x6a: {  	s12 =	sadd.s32 $0x2850, s3;
	[sflag:s26] =	ssyncadd.s32 $0xFFFFF600  }
0x6b: {  	[spmem:s2] =	stream.indirect.scatter.add.f32 [tilespmem:s21], [sflag:$0xA], $0x20, s12, s13, $0xb8;
	[tilespmem:$0x12020] =	vst v63  }
0x6c: {  	_ =	swait.ge [sflag:s28], $0xA00  }
0x6d: {  	[sflag:s28] =	ssyncset.done $0x0  }
0x6e: {  	s12 =	sadd.s32 $0x190, s3;
	[sflag:s28] =	ssyncadd.s32 $0xFFFFF600  }
0x6f: {  	[tilespmem:s14], [sflag:$0x1] =	stream.indirect.gather [hbm4b:s4+s13], $0x20, s12, s13, $0xb8;
	[tilespmem:$0x12020] =	vst v63  }
0x70: {  	_ =	swait.ge [sflag:s29], $0xA00  }
0x71: {  	[sflag:s29] =	ssyncset.done $0x0  }
0x72: {  	s12 =	sadd.s32 $0x1E0, s3;
	[sflag:s29] =	ssyncadd.s32 $0xFFFFF600  }
0x73: {  	[tilespmem:s15], [sflag:$0x2] =	stream.indirect.gather [hbm4b:s4+s13], $0x20, s12, s13, $0xb8;
	[tilespmem:$0x12020] =	vst v63  }
0x74: {  	_ =	swait.ge [sflag:s30], $0xA00  }
0x75: {  	[sflag:s30] =	ssyncset.done $0x0  }
0x76: {  	s12 =	sadd.s32 $0x230, s3;
	[sflag:s30] =	ssyncadd.s32 $0xFFFFF600  }
0x77: {  	[tilespmem:s17], [sflag:$0x3] =	stream.indirect.gather [hbm4b:s4+s13], $0x20, s12, s13, $0xb8;
	[tilespmem:$0x12020] =	vst v63  }
0x78: {  	_ =	swait.ge [sflag:s31], $0xA00  }
0x79: {  	[sflag:s31] =	ssyncset.done $0x0  }
.Ltmp1:
0x7a: {  	s12 =	sadd.s32 $0x280, s3;
	[sflag:s31] =	ssyncadd.s32 $0xFFFFF600;
	(pc) =	sbr.rel @p0 .LBB2_4-.Ltmp1, $4  }
0x7b: {  	[tilespmem:s19], [sflag:$0x4] =	stream.indirect.gather [hbm4b:s4+s13], $0x20, s12, s13, $0xb8;
	[tilespmem:$0x12020] =	vst v63  }
0x7c: {  	_ =	swait.ge [sflag:s0], $0xA00  }
0x7d: {  	[sflag:s0] =	ssyncset.done $0x0  }
0x7e: {  	s3 =	sadd.s32 $0x2D0, s3;
	[sflag:s0] =	ssyncadd.s32 $0xFFFFF600  }
0x7f: {  	[tilespmem:s21], [sflag:$0x5] =	stream.indirect.gather [hbm4b:s4+s13], $0x20, s3, s13, $0xb8;
	[tilespmem:$0x12020] =	vst v63  }
0x80: {  	_ =	swait.ge [sflag:s22], $0xA00  }
0x81: {  	[sflag:s22] =	ssyncset.done $0x0  }
0x82: {  	s1 =	simm.s32 $0x4C90;
	[sflag:s22] =	ssyncadd.s32 $0xFFFFF600  }
0x83: {  	[spmem:s2] =	stream.indirect.scatter.add.f32 [tilespmem:s14], [sflag:$0x6], $0x20, s1, s13, $0xb8;
	[tilespmem:$0x12020] =	vst v63  }
0x84: {  	_ =	swait.ge [sflag:s23], $0xA00  }
0x85: {  	[sflag:s23] =	ssyncset.done $0x0  }
0x86: {  	s12 =	simm.s32 $0x4CE0;
	[sflag:s23] =	ssyncadd.s32 $0xFFFFF600  }
0x87: {  	[spmem:s2] =	stream.indirect.scatter.add.f32 [tilespmem:s15], [sflag:$0x7], $0x20, s12, s13, $0xb8;
	[tilespmem:$0x12020] =	vst v63  }
0x88: {  	_ =	swait.ge [sflag:s24], $0xA00  }
0x89: {  	[sflag:s24] =	ssyncset.done $0x0  }
0x8a: {  	s3 =	simm.s32 $0x4D30;
	[sflag:s24] =	ssyncadd.s32 $0xFFFFF600  }
0x8b: {  	[spmem:s2] =	stream.indirect.scatter.add.f32 [tilespmem:s17], [sflag:$0x8], $0x20, s3, s13, $0xb8;
	[tilespmem:$0x12020] =	vst v63  }
0x8c: {  	_ =	swait.ge [sflag:s25], $0xA00  }
0x8d: {  	[sflag:s25] =	ssyncset.done $0x0  }
0x8e: {  	[sflag:s25] =	ssyncadd.s32 $0xFFFFF600  }
0x8f: {  	[spmem:s2] =	stream.indirect.scatter.add.f32 [tilespmem:s19], [sflag:$0x9], $0x20, s16, s13, $0xb8;
	[tilespmem:$0x12020] =	vst v63  }
0x90: {  	_ =	swait.ge [sflag:s26], $0xA00  }
0x91: {  	[sflag:s26] =	ssyncset.done $0x0  }
0x92: {  	[sflag:s26] =	ssyncadd.s32 $0xFFFFF600  }
0x93: {  	[spmem:s2] =	stream.indirect.scatter.add.f32 [tilespmem:s21], [sflag:$0xA], $0x20, s18, s13, $0xb8;
	[tilespmem:$0x12020] =	vst v63  }
0x94: {  	_ =	swait.ge [sflag:s28], $0xA00  }
0x95: {  	[sflag:s28] =	ssyncset.done $0x0  }
0x96: {  	[sflag:s28] =	ssyncadd.s32 $0xFFFFF600  }
0x97: {  	_ =	swait.ge [sflag:s29], $0xA00  }
0x98: {  	[sflag:s29] =	ssyncset.done $0x0  }
0x99: {  	[sflag:s29] =	ssyncadd.s32 $0xFFFFF600  }
0x9a: {  	_ =	swait.ge [sflag:s30], $0xA00  }
0x9b: {  	[sflag:s30] =	ssyncset.done $0x0  }
0x9c: {  	[sflag:s30] =	ssyncadd.s32 $0xFFFFF600  }
0x9d: {  	_ =	swait.ge [sflag:s31], $0xA00  }
0x9e: {  	[sflag:s31] =	ssyncset.done $0x0  }
0x9f: {  	[sflag:s31] =	ssyncadd.s32 $0xFFFFF600  }
0xa0: {  	_ =	swait.ge [sflag:s0], $0xA00  }
0xa1: {  	[sflag:s0] =	ssyncset.done $0x0  }
0xa2: {  	[sflag:s0] =	ssyncadd.s32 $0xFFFFF600  }
0xa3: {  	[bflag:$0x0] =	sbarrier.arrive $0xFFFF  }
0xa4: {  	[tilespmem:s10], [sflag:$0xB] =	stream.linear.gather [spmem:s5], $0x5000, $0x38;
	[tilespmem:$0x12020] =	vst v63  }
0xa5: {  	s20 =	sadd.s32 $0x1, s20;
	_ =	swait.ge [sflag:s11], $0x5000  }
0xa6: {  	p0 =	sne.s32 s20, s9;
	[sflag:s11] =	ssyncset.done $0x0  }
.Ltmp2:
0xa7: {  	s12 =	simm.s32 $0x0;
	[sflag:s11] =	ssyncadd.s32 $0xFFFFB000;
	(pc) =	sbr.rel @p0 .LBB2_1-.Ltmp2, $4  }
0xa8: {  	[hbm4b:s8+s12] =	stream.linear.scatter [tilespmem:s10], [sflag:$0xB], $0x5000, $0x38;
	[tilespmem:$0x12020] =	vst v63  }
0xa9: {  	_ =	swait.ge [sflag:s11], $0x5000  }
0xaa: {  	[sflag:s11] =	ssyncset.done $0x0  }
0xab: {  	[sflag:s11] =	ssyncadd.s32 $0xFFFFB000  }
0xac: {  	_ =	sfence.sel $0x180000  }
0xad: {  	[bflag:$0x0] =	sbarrier.arrive $0xFFFF  }
0xae: {  	_ =	strace $0x9000004A  }
0xaf: {  	s0 =	stileid.u32;
	[bflag:$0x2] =	sbarrier.arrive $0xFFFF  }
0xb0: {  	p0 =	sne.s32 s0, $0x0;
	s0 =	rddreg [dreg:$0x2]  }
0xb1: {  	s0 =	sadd.s32 @!p0 $0x100000, s0  }
0xb2: {  	[sflag:s0] =	ssyncadd.tile.s32 @!p0 $0x1;
	_ =	shalt  }
.Lfunc_end2:
_tile_overlayer_lowered:
.L_overlay_start_2:
0xb3: {  	(tag) =	ssettag $0x2  }
0xb4: {  	s0 =	rddreg [dreg:$0x0];
	s2 =	stileid.u32  }
0xb5: {  	s1 =	rddreg [dreg:$0x1];
	p0 =	sne.s32 s2, $0x0  }
0xb6: {  	s3 =	rddreg [dreg:$0x2];
	[bflag:$0x3] =	sbarrier.arrive $0xFFFF;
	s2 =	simm.s32 @!p0 $0x1C0B  }
0xb7: {  	[timem:s3], [sflag:s2] =	dma.local @!p0 [hbm:s0], s1  }
0xb8: {  	s0 =	simm.s32 @!p0 $0xB  }
0xb9: {  	_ =	swait.ge @!p0 [sflag:s0], s1  }
0xba: {  	s1 =	ssub.s32 @!p0 $0x0, s1;
	[sflag:s0] =	ssyncset.done @!p0 $0x0  }
0xbb: {  	[sflag:s0] =	ssyncadd.s32 @!p0 s1  }
0xbc: {  	[bflag:$0x3] =	sbarrier.arrive $0xFFFF  }
0xbd: {  	_ =	shalt  }

</sc_bundles>
